<compile_context>
chip_gen: v7x
topology: tpu7x:2x2x1
jax: 0.10.2.dev20260603
libtpu: 0.0.44.dev20260713+nightly
codegen_flags: <defaults>
</compile_context>

<pallas_src>
import functools

import jax
import jax.numpy as jnp
from jax import lax
from jax.experimental import pallas as pl
from jax.experimental.pallas import tpu as pltpu
from jax.experimental.pallas import tpu_sc as plsc

_B, _S, _J, _H, _W, _P = 2, 2, 17, 128, 128, 8
_HW = _H * _W
_C = (1 + 1) * _J
_NJ = 32


def _mt_body(preds_hbm, kp_hbm, out_hbm, kp_v, val_v, sem):
    cid = lax.axis_index("c")
    sid = lax.axis_index("s")
    wid = sid * 2 + cid
    bs = wid // _P
    p = wid % _P
    b = bs // _S
    pltpu.sync_copy(kp_hbm.at[b, p], kp_v)
    base = bs * (_C * _HW) + _J * _HW
    acc = jnp.zeros((16,), jnp.float32)
    cnt = jnp.zeros((16,), jnp.float32)
    for c in range(_NJ // 16):
        k0 = kp_v[16 * c:16 * (c + 1)]
        k1 = kp_v[_NJ + 16 * c:_NJ + 16 * (c + 1)]
        idx = k0 + base
        pltpu.async_copy(preds_hbm.at[idx], val_v, sem).wait()
        vis = jnp.where(k1 > 0, 1.0, 0.0).astype(jnp.float32)
        acc = acc + val_v[...] * vis
        cnt = cnt + vis
    num = 0.0
    den = 0.0
    for i in range(16):
        num += acc[i]
        den += cnt[i]
    val_v[...] = jnp.broadcast_to(num, (16,)) / jnp.maximum(
        jnp.broadcast_to(den, (16,)), 1.0)
    pltpu.sync_copy(val_v, out_hbm.at[wid])


@functools.cache
def _mt_kernel():
    return pl.kernel(
        _mt_body,
        mesh=plsc.VectorSubcoreMesh(core_axis_name="c", subcore_axis_name="s"),
        out_type=jax.ShapeDtypeStruct((32, 16), jnp.float32),
        scratch_types=[
            pltpu.VMEM((2 * _NJ,), jnp.int32),
            pltpu.VMEM((16,), jnp.float32),
            pltpu.SemaphoreType.DMA,
        ],
    )


def _mean_tags(preds, gt_keypoints):
    kp = gt_keypoints.astype(jnp.int32)
    pad = ((0, 0), (0, 0), (0, _NJ - _J))
    idx = jnp.pad(kp[..., 0], pad)
    vis = jnp.pad(kp[..., 1], pad)
    packed = jnp.concatenate([idx, vis], axis=-1)
    return _mt_kernel()(preds.reshape(-1), packed)


def _loss_body(mt_ref, skel_ref, hm_ref, tg_ref, out_ref, acc_ref):
    jb = pl.program_id(0)

    @pl.when(jb == 0)
    def _():
        acc_ref[...] = jnp.zeros((2 * _B, _P), jnp.float32)

    si = lax.broadcasted_iota(jnp.int32, (_P, _H), 0)
    li = lax.broadcasted_iota(jnp.int32, (_P, _H), 1).astype(jnp.float32)
    y2 = jnp.where(si == 0, 1.0, jnp.where(si == 1, li, 0.0))
    xsr = lax.broadcasted_iota(jnp.int32, (_P, _W), 1).astype(jnp.float32)
    ones = jnp.ones((_W, _P), jnp.float32)
    g = skel_ref[0]
    units = [(b, s) for b in range(_B) for s in range(_S)]
    cmms = []
    for u, (b, s) in enumerate(units):
        tg = tg_ref[b, s, 0]
        base = 30.0 * hm_ref[b, s, 0] - 60.0 * (tg * tg)
        cms = []
        for p in range(_P):
            logit = base + (120.0 * mt_ref[u * _P + p, 0]) * tg
            cms.append(jnp.max(logit, axis=0, keepdims=True))
        cmms.append(jnp.concatenate(cms, axis=0))
    fs = []
    fxs = []
    for u in range(len(units)):
        mx8 = jnp.max(lax.transpose(cmms[u], (1, 0)), axis=0, keepdims=True)
        mxc = lax.transpose(mx8, (1, 0))
        f = jnp.exp(cmms[u] - mxc)
        fs.append(f)
        fxs.append(f * xsr)
    s3s = []
    for u, (b, s) in enumerate(units):
        cmm, f, fx = cmms[u], fs[u], fxs[u]
        tg = tg_ref[b, s, 0]
        base = 30.0 * hm_ref[b, s, 0] - 60.0 * (tg * tg)
        zrows = []
        syrows = []
        sxrows = []
        for p in range(_P):
            e = jnp.exp(base + (120.0 * mt_ref[u * _P + p, 0]) * tg
                        - cmm[p:p + 1, :])
            t = lax.dot_general(y2, e, (((1,), (0,)), ((), ())),
                                preferred_element_type=jnp.float32)
            zrows.append(t[0:1, :] * f[p:p + 1, :])
            syrows.append(t[1:2, :] * f[p:p + 1, :])
            sxrows.append(t[0:1, :] * fx[p:p + 1, :])
        s3s.append(jnp.concatenate(zrows + syrows + sxrows, axis=0))
    for u, (b, s) in enumerate(units):
        r = lax.dot_general(s3s[u], ones, (((1,), (0,)), ((), ())),
                            preferred_element_type=jnp.float32)
        rt = lax.transpose(r, (1, 0))
        zv = jnp.maximum(rt[0:1, 0:_P], 1e-30)
        syv = rt[0:1, _P:2 * _P]
        sxv = rt[0:1, 2 * _P:3 * _P]
        xv = sxv / zv
        yv = syv / zv
        gx = g[3 * b:3 * b + 1, 0:_P]
        gy = g[3 * b + 1:3 * b + 2, 0:_P]
        mk = jnp.where(g[3 * b + 2:3 * b + 3, 0:_P] > 0.0, 1.0, 0.0)
        dx = gx - xv
        dy = gy - yv
        contrib = mk * (dx * dx + dy * dy)
        acc_ref[2 * b:2 * b + 1, :] += contrib
        acc_ref[2 * b + 1:2 * b + 2, :] += mk

    @pl.when(jb == _J - 1)
    def _():
        tot = 0.0
        for bb in range(_B):
            num = jnp.sum(acc_ref[2 * bb:2 * bb + 1, :])
            den = jnp.sum(acc_ref[2 * bb + 1:2 * bb + 2, :])
            tot += num / jnp.maximum(den, 1.0)
        out_ref[0, 0] = tot / _B


def _loss_call(mt, skel_re, preds):
    return pl.pallas_call(
        _loss_body,
        grid=(_J,),
        in_specs=[
            pl.BlockSpec(memory_space=pltpu.SMEM),
            pl.BlockSpec((1, 8, _W), lambda j: (j, 0, 0)),
            pl.BlockSpec((_B, _S, 1, _H, _W), lambda j: (0, 0, j, 0, 0)),
            pl.BlockSpec((_B, _S, 1, _H, _W), lambda j: (0, 0, j + _J, 0, 0)),
        ],
        out_specs=pl.BlockSpec(memory_space=pltpu.SMEM),
        out_shape=jax.ShapeDtypeStruct((1, 1), jnp.float32),
        scratch_shapes=[
            pltpu.VMEM((2 * _B, _P), jnp.float32),
        ],
    )(mt, skel_re, preds, preds)


def _skel_rearrange(gt_skeletons):
    st = jnp.transpose(gt_skeletons, (2, 0, 3, 1))
    st = st.reshape(_J, _B * 3, _P)
    return jnp.pad(st, ((0, 0), (0, 8 - _B * 3), (0, _W - _P)))


def kernel(preds, gt_masks, gt_skeletons, gt_heatmaps, gt_keypoints):
    mt = _mean_tags(preds, gt_keypoints)
    out = _loss_call(mt, _skel_rearrange(gt_skeletons), preds)
    return out[0, 0]

# --- scband reference (transcript-rebuilt; emitter-appended) ---
"""Pipeline reference for scband-skeleton-loss-83880711290950 (READ-ONLY COPY).

The authoritative reference and input builder live on the scoring server;
editing this copy changes nothing except your own understanding.
"""

import jax, jax.numpy as jnp
import numpy as np

B, S, J, TDIM, H, W, P = 2, 2, 17, 1, 128, 128, 8


def setup_inputs(seed: int = 0) -> dict:
    key = jax.random.key(seed)
    k1, k2, k3, k4, k5 = jax.random.split(key, 5)
    preds = jax.random.normal(k1, (B, S, (1 + TDIM) * J, H, W), dtype=jnp.float32)
    gt_masks = jax.random.uniform(k2, (B, H, W), dtype=jnp.float32)
    gt_skeletons = jax.random.uniform(k3, (B, P, J, 3), dtype=jnp.float32)
    gt_heatmaps = jax.random.uniform(k4, (B, J, H, W), dtype=jnp.float32)
    gt_keypoints = jax.random.randint(k5, (B, P, J, 2), 0, J * H * W).astype(jnp.int64)
    return {"preds": preds, "gt_masks": gt_masks, "gt_skeletons": gt_skeletons,
            "gt_heatmaps": gt_heatmaps, "gt_keypoints": gt_keypoints}


def _single_skeleton_loss(hm, tags, kps, gt_skel):
    # hm: [S, J, H, W]; tags: [S, J, H, W, T]; kps: int [P, J, 2]; gt_skel: [P, J, 3]
    s, j, h, w = hm.shape
    t = tags.shape[-1]
    p = kps.shape[0]
    # get_average_tags per stack: gather tags at flat keypoint indices, masked mean over visible joints
    flat = tags.reshape(s, j * h * w, t)
    idx = kps[:, :, 0]                                  # [P, J]
    vis = (kps[:, :, 1] > 0).astype(jnp.float32)        # [P, J]
    gathered = flat[:, idx]                             # [S, P, J, T]
    cnt = jnp.clip(vis.sum(axis=1), 1.0)                # [P]
    mean_tags = (gathered * vis[None, :, :, None]).sum(axis=2) / cnt[None, :, None]  # [S, P, T]
    # SkeletonGenerator(sigma=0.5, softmax_factor=30): tag-affinity-weighted soft-argmax
    sigma, sf = 0.5, 30.0
    d2 = ((tags[:, None] - mean_tags[:, :, None, None, None, :]) ** 2).sum(-1)  # [S, P, J, H, W]
    score = hm[:, None] - d2 / (2.0 * sigma ** 2)
    wts = jax.nn.softmax((sf * score).reshape(s, p, j, h * w), axis=-1).reshape(s, p, j, h, w)
    xs = jnp.arange(w, dtype=jnp.float32)
    ys = jnp.arange(h, dtype=jnp.float32)
    x = (wts * xs[None, None, None, None, :]).sum(axis=(-1, -2))
    y = (wts * ys[None, None, None, :, None]).sum(axis=(-1, -2))
    skel = jnp.stack([x, y], axis=-1)                   # [S, P, J, 2]
    diff = ((gt_skel[None, :, :, :2] - skel) ** 2).sum(-1)  # [S, P, J]
    mask = jnp.broadcast_to(gt_skel[None, :, :, 2] > 0, diff.shape).astype(jnp.float32)
    return (diff * mask).sum() / jnp.clip(mask.sum(), 1.0)


def reference(preds, gt_masks, gt_skeletons, gt_heatmaps, gt_keypoints):
    tag_dim = 1
    n_parts = gt_heatmaps.shape[1]
    b, n_stack = preds.shape[0], preds.shape[1]
    h, w = preds.shape[3], preds.shape[4]
    pred_heatmaps = preds[:, :, :n_parts]
    pred_tags = preds[:, :, n_parts:(1 + tag_dim) * n_parts].reshape(b, n_stack, n_parts, h, w, tag_dim)
    losses = []
    for i in range(b):
        losses.append(_single_skeleton_loss(pred_heatmaps[i], pred_tags[i], gt_keypoints[i], gt_skeletons[i]))
    loss_vec = jnp.stack(losses)
    # WeightedLoss: loss = sum_i weights[i] * mean(losses[i]); weights = (1,)
    return 1.0 * jnp.mean(loss_vec)

if __name__ == "__main__":
    import jax
    _d = setup_inputs()
    print(jax.jit(kernel)(*tuple(_d.values())))

</pallas_src>

<mosaic_0001>
#map = affine_map<(d0, d1) -> (0)>
#map1 = affine_map<(d0, d1) -> (0, 0, 0)>
#map2 = affine_map<(d0, d1) -> (0, 0)>
module attributes {stable_mosaic.version = 14 : i64} {
  func.func @_mt_body(%arg0: i32, %arg1: i32, %arg2: memref<2228224xf32, #tpu.memory_space<hbm>>, %arg3: memref<2x8x64xi32, #tpu.memory_space<hbm>>, %arg4: memref<32x16xf32, #tpu.memory_space<hbm>>, %arg5: memref<64xi32, #tpu.memory_space<vmem>>, %arg6: memref<16xf32, #tpu.memory_space<vmem>>, %arg7: memref<!tpu.dma_semaphore, #tpu.memory_space<semaphore_mem>>) attributes {dimension_semantics = [#tpu.dimension_semantics<core_parallel>, #tpu.dimension_semantics<subcore_parallel>], iteration_bounds = array<i64: 2, 16>, scalar_prefetch = 0 : i64, scratch_operands = 3 : i64, tpu.core_type = #tpu.core_type<sc_vector_subcore>, window_params = [{transform_indices = #map}, {transform_indices = #map1}, {transform_indices = #map2}]} {
    %mul3A = arith.constant 2 : i32
    %mul3A_0 = arith.muli %arg1, %mul3A : i32
    %add3A = arith.addi %mul3A_0, %arg0 : i32
    %jit3A = arith.constant 8 : i32
    %div3A = arith.divsi %add3A, %jit3A : i32
    %sign3A = arith.constant 0 : i32
    %sign3A_1 = arith.cmpi sgt, %add3A, %sign3A : i32
    %sign3A_2 = arith.extui %sign3A_1 : i1 to i32
    %sign3A_3 = arith.constant 0 : i32
    %sign3A_4 = arith.cmpi slt, %add3A, %sign3A_3 : i32
    %sign3A_5 = arith.extui %sign3A_4 : i1 to i32
    %sign3A_6 = arith.subi %sign3A_2, %sign3A_5 : i32
    %sign3A_7 = arith.constant 0 : i32
    %sign3A_8 = arith.cmpi sgt, %jit3A, %sign3A_7 : i32
    %sign3A_9 = arith.extui %sign3A_8 : i1 to i32
    %sign3A_10 = arith.constant 0 : i32
    %sign3A_11 = arith.cmpi slt, %jit3A, %sign3A_10 : i32
    %sign3A_12 = arith.extui %sign3A_11 : i1 to i32
    %sign3A_13 = arith.subi %sign3A_9, %sign3A_12 : i32
    %ne3A = arith.cmpi ne, %sign3A_6, %sign3A_13 : i32
    %rem3A = arith.remsi %add3A, %jit3A : i32
    %ne3A_14 = arith.constant 0 : i32
    %ne3A_15 = arith.cmpi ne, %rem3A, %ne3A_14 : i32
    %and3A = arith.andi %ne3A, %ne3A_15 : i1
    %sub3A = arith.constant 1 : i32
    %sub3A_16 = arith.subi %div3A, %sub3A : i32
    %select_n3A = arith.select %and3A, %sub3A_16, %div3A : i32
    %jit3A_17 = arith.constant 8 : i32
    %eq3A = arith.constant 0 : i32
    %eq3A_18 = arith.cmpi eq, %jit3A_17, %eq3A : i32
    %jit3A_19 = arith.constant 1 : i32
    %select_n3A_20 = arith.select %eq3A_18, %jit3A_19, %jit3A_17 : i32
    %rem3A_21 = arith.remsi %add3A, %select_n3A_20 : i32
    %ne3A_22 = arith.constant 0 : i32
    %ne3A_23 = arith.cmpi ne, %rem3A_21, %ne3A_22 : i32
    %lt3A = arith.constant 0 : i32
    %lt3A_24 = arith.cmpi slt, %rem3A_21, %lt3A : i32
    %lt3A_25 = arith.constant 0 : i32
    %lt3A_26 = arith.cmpi slt, %select_n3A_20, %lt3A_25 : i32
    %ne3A_27 = arith.xori %lt3A_24, %lt3A_26 : i1
    %and3A_28 = arith.andi %ne3A_27, %ne3A_23 : i1
    %add3A_29 = arith.addi %rem3A_21, %select_n3A_20 : i32
    %select_n3A_30 = arith.select %and3A_28, %add3A_29, %rem3A_21 : i32
    %jit3A_31 = arith.constant 2 : i32
    %div3A_32 = arith.divsi %select_n3A, %jit3A_31 : i32
    %sign3A_33 = arith.constant 0 : i32
    %sign3A_34 = arith.cmpi sgt, %select_n3A, %sign3A_33 : i32
    %sign3A_35 = arith.extui %sign3A_34 : i1 to i32
    %sign3A_36 = arith.constant 0 : i32
    %sign3A_37 = arith.cmpi slt, %select_n3A, %sign3A_36 : i32
    %sign3A_38 = arith.extui %sign3A_37 : i1 to i32
    %sign3A_39 = arith.subi %sign3A_35, %sign3A_38 : i32
    %sign3A_40 = arith.constant 0 : i32
    %sign3A_41 = arith.cmpi sgt, %jit3A_31, %sign3A_40 : i32
    %sign3A_42 = arith.extui %sign3A_41 : i1 to i32
    %sign3A_43 = arith.constant 0 : i32
    %sign3A_44 = arith.cmpi slt, %jit3A_31, %sign3A_43 : i32
    %sign3A_45 = arith.extui %sign3A_44 : i1 to i32
    %sign3A_46 = arith.subi %sign3A_42, %sign3A_45 : i32
    %ne3A_47 = arith.cmpi ne, %sign3A_39, %sign3A_46 : i32
    %rem3A_48 = arith.remsi %select_n3A, %jit3A_31 : i32
    %ne3A_49 = arith.constant 0 : i32
    %ne3A_50 = arith.cmpi ne, %rem3A_48, %ne3A_49 : i32
    %and3A_51 = arith.andi %ne3A_47, %ne3A_50 : i1
    %sub3A_52 = arith.constant 1 : i32
    %sub3A_53 = arith.subi %div3A_32, %sub3A_52 : i32
    %select_n3A_54 = arith.select %and3A_51, %sub3A_53, %div3A_32 : i32
    "tpu.region"() ({
      %run_scoped3A = tpu.sem_alloc : memref<!tpu.dma_semaphore, #tpu.memory_space<semaphore_mem>>
      %dma_start3A_214 = arith.constant 0 : i32
      %dma_start3A_215 = tpu.memref_slice %arg3[%select_n3A_54, %select_n3A_30, %dma_start3A_214] : memref<2x8x64xi32, #tpu.memory_space<hbm>> -> memref<1x1x64xi32, #tpu.memory_space<hbm>>
      %dma_start3A_216 = tpu.memref_squeeze %dma_start3A_215 : memref<1x1x64xi32, #tpu.memory_space<hbm>> -> memref<64xi32, #tpu.memory_space<hbm>>
      %dma_start3A_217 = arith.constant 0 : i32
      %dma_start3A_218 = tpu.memref_slice %arg3[%select_n3A_54, %select_n3A_30, %dma_start3A_217] : memref<2x8x64xi32, #tpu.memory_space<hbm>> -> memref<1x1x64xi32, #tpu.memory_space<hbm>>
      %dma_start3A_219 = tpu.memref_squeeze %dma_start3A_218 : memref<1x1x64xi32, #tpu.memory_space<hbm>> -> memref<64xi32, #tpu.memory_space<hbm>>
      tpu.enqueue_dma source(%dma_start3A_219 : memref<64xi32, #tpu.memory_space<hbm>>) target(%arg5 : memref<64xi32, #tpu.memory_space<vmem>>) target_semaphore(%run_scoped3A : memref<!tpu.dma_semaphore, #tpu.memory_space<semaphore_mem>>)
      %dma_wait3A_220 = arith.constant 0 : i32
      %dma_wait3A_221 = tpu.memref_slice %arg3[%select_n3A_54, %select_n3A_30, %dma_wait3A_220] : memref<2x8x64xi32, #tpu.memory_space<hbm>> -> memref<1x1x64xi32, #tpu.memory_space<hbm>>
      %dma_wait3A_222 = tpu.memref_squeeze %dma_wait3A_221 : memref<1x1x64xi32, #tpu.memory_space<hbm>> -> memref<64xi32, #tpu.memory_space<hbm>>
      %dma_wait3A_223 = arith.constant 0 : i32
      %dma_wait3A_224 = tpu.memref_slice %arg3[%select_n3A_54, %select_n3A_30, %dma_wait3A_223] : memref<2x8x64xi32, #tpu.memory_space<hbm>> -> memref<1x1x64xi32, #tpu.memory_space<hbm>>
      %dma_wait3A_225 = tpu.memref_squeeze %dma_wait3A_224 : memref<1x1x64xi32, #tpu.memory_space<hbm>> -> memref<64xi32, #tpu.memory_space<hbm>>
      tpu.wait_dma2 semaphore(%run_scoped3A : memref<!tpu.dma_semaphore, #tpu.memory_space<semaphore_mem>>) src(%dma_wait3A_225 : memref<64xi32, #tpu.memory_space<hbm>>) dst(%arg5 : memref<64xi32, #tpu.memory_space<vmem>>)
      tpu.yield
    }) : () -> ()
    %mul3A_55 = arith.constant 557056 : i32
    %mul3A_56 = arith.muli %select_n3A, %mul3A_55 : i32
    %add3A_57 = arith.constant 278528 : i32
    %add3A_58 = arith.addi %mul3A_56, %add3A_57 : i32
    %broadcast_in_dim3A = arith.constant 0.000000e+00 : f32
    %broadcast_in_dim3A_59 = vector.broadcast %broadcast_in_dim3A : f32 to vector<16xf32>
    %broadcast_in_dim3A_60 = arith.constant 0.000000e+00 : f32
    %broadcast_in_dim3A_61 = vector.broadcast %broadcast_in_dim3A_60 : f32 to vector<16xf32>
    %get3A = arith.constant 0 : index
    %get3A_62 = tpu.vector_load %arg5[%get3A] {strides = array<i32>} : memref<64xi32, #tpu.memory_space<vmem>>, vector<16xi32>,
    %get3A_63 = vector.shape_cast %get3A_62 : vector<16xi32> to vector<16xi32>
    %get3A_64 = arith.constant 32 : index
    %get3A_65 = tpu.vector_load %arg5[%get3A_64] {strides = array<i32>} : memref<64xi32, #tpu.memory_space<vmem>>, vector<16xi32>,
    %get3A_66 = vector.shape_cast %get3A_65 : vector<16xi32> to vector<16xi32>
    %add3A_67 = vector.broadcast %add3A_58 : i32 to vector<16xi32>
    %add3A_68 = arith.addi %get3A_63, %add3A_67 : vector<16xi32>
    %dma_start3A = arith.constant 0 : i32
    %dma_start3A_69 = tpu.memref_slice %arg2[%dma_start3A] : memref<2228224xf32, #tpu.memory_space<hbm>> -> memref<2228224xf32, #tpu.memory_space<hbm>>
    tpu.enqueue_indirect_dma source(%dma_start3A_69 : memref<2228224xf32, #tpu.memory_space<hbm>>) target(%arg6 : memref<16xf32, #tpu.memory_space<vmem>>) offsets(%add3A_68 : vector<16xi32>) semaphore(%arg7 : memref<!tpu.dma_semaphore, #tpu.memory_space<semaphore_mem>>)
    %dma_wait3A = arith.constant 0 : i32
    %dma_wait3A_70 = tpu.memref_slice %arg2[%dma_wait3A] : memref<2228224xf32, #tpu.memory_space<hbm>> -> memref<2228224xf32, #tpu.memory_space<hbm>>
    tpu.wait_indirect_dma semaphore(%arg7 : memref<!tpu.dma_semaphore, #tpu.memory_space<semaphore_mem>>) src(%dma_wait3A_70 : memref<2228224xf32, #tpu.memory_space<hbm>>) dst(%arg6 : memref<16xf32, #tpu.memory_space<vmem>>)
    %gt3A = arith.constant 0 : i32
    %gt3A_71 = vector.broadcast %gt3A : i32 to vector<16xi32>
    %gt3A_72 = arith.cmpi sgt, %get3A_66, %gt3A_71 : vector<16xi32>
    %jit3A_73 = arith.constant 1.000000e+00 : f32
    %jit3A_74 = arith.constant 0.000000e+00 : f32
    %broadcast_in_dim3A_75 = vector.broadcast %jit3A_73 : f32 to vector<16xf32>
    %broadcast_in_dim3A_76 = vector.broadcast %jit3A_74 : f32 to vector<16xf32>
    %select_n3A_77 = arith.select %gt3A_72, %broadcast_in_dim3A_75, %broadcast_in_dim3A_76 : vector<16xi1>, vector<16xf32>
    %get3A_78 = arith.constant 0 : index
    %get3A_79 = tpu.vector_load %arg6[%get3A_78] {strides = array<i32>} : memref<16xf32, #tpu.memory_space<vmem>>, vector<16xf32>,
    %get3A_80 = vector.shape_cast %get3A_79 : vector<16xf32> to vector<16xf32>
    %mul3A_81 = arith.mulf %get3A_80, %select_n3A_77 : vector<16xf32>
    %add3A_82 = arith.addf %broadcast_in_dim3A_59, %mul3A_81 : vector<16xf32>
    %add3A_83 = arith.addf %broadcast_in_dim3A_61, %select_n3A_77 : vector<16xf32>
    %get3A_84 = arith.constant 16 : index
    %get3A_85 = tpu.vector_load %arg5[%get3A_84] {strides = array<i32>} : memref<64xi32, #tpu.memory_space<vmem>>, vector<16xi32>,
    %get3A_86 = vector.shape_cast %get3A_85 : vector<16xi32> to vector<16xi32>
    %get3A_87 = arith.constant 48 : index
    %get3A_88 = tpu.vector_load %arg5[%get3A_87] {strides = array<i32>} : memref<64xi32, #tpu.memory_space<vmem>>, vector<16xi32>,
    %get3A_89 = vector.shape_cast %get3A_88 : vector<16xi32> to vector<16xi32>
    %add3A_90 = vector.broadcast %add3A_58 : i32 to vector<16xi32>
    %add3A_91 = arith.addi %get3A_86, %add3A_90 : vector<16xi32>
    %dma_start3A_92 = arith.constant 0 : i32
    %dma_start3A_93 = tpu.memref_slice %arg2[%dma_start3A_92] : memref<2228224xf32, #tpu.memory_space<hbm>> -> memref<2228224xf32, #tpu.memory_space<hbm>>
    tpu.enqueue_indirect_dma source(%dma_start3A_93 : memref<2228224xf32, #tpu.memory_space<hbm>>) target(%arg6 : memref<16xf32, #tpu.memory_space<vmem>>) offsets(%add3A_91 : vector<16xi32>) semaphore(%arg7 : memref<!tpu.dma_semaphore, #tpu.memory_space<semaphore_mem>>)
    %dma_wait3A_94 = arith.constant 0 : i32
    %dma_wait3A_95 = tpu.memref_slice %arg2[%dma_wait3A_94] : memref<2228224xf32, #tpu.memory_space<hbm>> -> memref<2228224xf32, #tpu.memory_space<hbm>>
    tpu.wait_indirect_dma semaphore(%arg7 : memref<!tpu.dma_semaphore, #tpu.memory_space<semaphore_mem>>) src(%dma_wait3A_95 : memref<2228224xf32, #tpu.memory_space<hbm>>) dst(%arg6 : memref<16xf32, #tpu.memory_space<vmem>>)
    %gt3A_96 = arith.constant 0 : i32
    %gt3A_97 = vector.broadcast %gt3A_96 : i32 to vector<16xi32>
    %gt3A_98 = arith.cmpi sgt, %get3A_89, %gt3A_97 : vector<16xi32>
    %jit3A_99 = arith.constant 1.000000e+00 : f32
    %jit3A_100 = arith.constant 0.000000e+00 : f32
    %broadcast_in_dim3A_101 = vector.broadcast %jit3A_99 : f32 to vector<16xf32>
    %broadcast_in_dim3A_102 = vector.broadcast %jit3A_100 : f32 to vector<16xf32>
    %select_n3A_103 = arith.select %gt3A_98, %broadcast_in_dim3A_101, %broadcast_in_dim3A_102 : vector<16xi1>, vector<16xf32>
    %get3A_104 = arith.constant 0 : index
    %get3A_105 = tpu.vector_load %arg6[%get3A_104] {strides = array<i32>} : memref<16xf32, #tpu.memory_space<vmem>>, vector<16xf32>,
    %get3A_106 = vector.shape_cast %get3A_105 : vector<16xf32> to vector<16xf32>
    %mul3A_107 = arith.mulf %get3A_106, %select_n3A_103 : vector<16xf32>
    %add3A_108 = arith.addf %add3A_82, %mul3A_107 : vector<16xf32>
    %add3A_109 = arith.addf %add3A_83, %select_n3A_103 : vector<16xf32>
    %slice3A = vector.extract_strided_slice %add3A_108 {offsets = [0], sizes = [1], strides = [1]} : vector<16xf32> to vector<1xf32>
    %squeeze3A = vector.extract %slice3A[0] : f32 from vector<1xf32>
    %add3A_110 = arith.constant 0.000000e+00 : f32
    %add3A_111 = arith.addf %add3A_110, %squeeze3A : f32
    %slice3A_112 = vector.extract_strided_slice %add3A_109 {offsets = [0], sizes = [1], strides = [1]} : vector<16xf32> to vector<1xf32>
    %squeeze3A_113 = vector.extract %slice3A_112[0] : f32 from vector<1xf32>
    %add3A_114 = arith.constant 0.000000e+00 : f32
    %add3A_115 = arith.addf %add3A_114, %squeeze3A_113 : f32
    %slice3A_116 = vector.extract_strided_slice %add3A_108 {offsets = [1], sizes = [1], strides = [1]} : vector<16xf32> to vector<1xf32>
    %squeeze3A_117 = vector.extract %slice3A_116[0] : f32 from vector<1xf32>
    %add3A_118 = arith.addf %add3A_111, %squeeze3A_117 : f32
    %slice3A_119 = vector.extract_strided_slice %add3A_109 {offsets = [1], sizes = [1], strides = [1]} : vector<16xf32> to vector<1xf32>
    %squeeze3A_120 = vector.extract %slice3A_119[0] : f32 from vector<1xf32>
    %add3A_121 = arith.addf %add3A_115, %squeeze3A_120 : f32
    %slice3A_122 = vector.extract_strided_slice %add3A_108 {offsets = [2], sizes = [1], strides = [1]} : vector<16xf32> to vector<1xf32>
    %squeeze3A_123 = vector.extract %slice3A_122[0] : f32 from vector<1xf32>
    %add3A_124 = arith.addf %add3A_118, %squeeze3A_123 : f32
    %slice3A_125 = vector.extract_strided_slice %add3A_109 {offsets = [2], sizes = [1], strides = [1]} : vector<16xf32> to vector<1xf32>
    %squeeze3A_126 = vector.extract %slice3A_125[0] : f32 from vector<1xf32>
    %add3A_127 = arith.addf %add3A_121, %squeeze3A_126 : f32
    %slice3A_128 = vector.extract_strided_slice %add3A_108 {offsets = [3], sizes = [1], strides = [1]} : vector<16xf32> to vector<1xf32>
    %squeeze3A_129 = vector.extract %slice3A_128[0] : f32 from vector<1xf32>
    %add3A_130 = arith.addf %add3A_124, %squeeze3A_129 : f32
    %slice3A_131 = vector.extract_strided_slice %add3A_109 {offsets = [3], sizes = [1], strides = [1]} : vector<16xf32> to vector<1xf32>
    %squeeze3A_132 = vector.extract %slice3A_131[0] : f32 from vector<1xf32>
    %add3A_133 = arith.addf %add3A_127, %squeeze3A_132 : f32
    %slice3A_134 = vector.extract_strided_slice %add3A_108 {offsets = [4], sizes = [1], strides = [1]} : vector<16xf32> to vector<1xf32>
    %squeeze3A_135 = vector.extract %slice3A_134[0] : f32 from vector<1xf32>
    %add3A_136 = arith.addf %add3A_130, %squeeze3A_135 : f32
    %slice3A_137 = vector.extract_strided_slice %add3A_109 {offsets = [4], sizes = [1], strides = [1]} : vector<16xf32> to vector<1xf32>
    %squeeze3A_138 = vector.extract %slice3A_137[0] : f32 from vector<1xf32>
    %add3A_139 = arith.addf %add3A_133, %squeeze3A_138 : f32
    %slice3A_140 = vector.extract_strided_slice %add3A_108 {offsets = [5], sizes = [1], strides = [1]} : vector<16xf32> to vector<1xf32>
    %squeeze3A_141 = vector.extract %slice3A_140[0] : f32 from vector<1xf32>
    %add3A_142 = arith.addf %add3A_136, %squeeze3A_141 : f32
    %slice3A_143 = vector.extract_strided_slice %add3A_109 {offsets = [5], sizes = [1], strides = [1]} : vector<16xf32> to vector<1xf32>
    %squeeze3A_144 = vector.extract %slice3A_143[0] : f32 from vector<1xf32>
    %add3A_145 = arith.addf %add3A_139, %squeeze3A_144 : f32
    %slice3A_146 = vector.extract_strided_slice %add3A_108 {offsets = [6], sizes = [1], strides = [1]} : vector<16xf32> to vector<1xf32>
    %squeeze3A_147 = vector.extract %slice3A_146[0] : f32 from vector<1xf32>
    %add3A_148 = arith.addf %add3A_142, %squeeze3A_147 : f32
    %slice3A_149 = vector.extract_strided_slice %add3A_109 {offsets = [6], sizes = [1], strides = [1]} : vector<16xf32> to vector<1xf32>
    %squeeze3A_150 = vector.extract %slice3A_149[0] : f32 from vector<1xf32>
    %add3A_151 = arith.addf %add3A_145, %squeeze3A_150 : f32
    %slice3A_152 = vector.extract_strided_slice %add3A_108 {offsets = [7], sizes = [1], strides = [1]} : vector<16xf32> to vector<1xf32>
    %squeeze3A_153 = vector.extract %slice3A_152[0] : f32 from vector<1xf32>
    %add3A_154 = arith.addf %add3A_148, %squeeze3A_153 : f32
    %slice3A_155 = vector.extract_strided_slice %add3A_109 {offsets = [7], sizes = [1], strides = [1]} : vector<16xf32> to vector<1xf32>
    %squeeze3A_156 = vector.extract %slice3A_155[0] : f32 from vector<1xf32>
    %add3A_157 = arith.addf %add3A_151, %squeeze3A_156 : f32
    %slice3A_158 = vector.extract_strided_slice %add3A_108 {offsets = [8], sizes = [1], strides = [1]} : vector<16xf32> to vector<1xf32>
    %squeeze3A_159 = vector.extract %slice3A_158[0] : f32 from vector<1xf32>
    %add3A_160 = arith.addf %add3A_154, %squeeze3A_159 : f32
    %slice3A_161 = vector.extract_strided_slice %add3A_109 {offsets = [8], sizes = [1], strides = [1]} : vector<16xf32> to vector<1xf32>
    %squeeze3A_162 = vector.extract %slice3A_161[0] : f32 from vector<1xf32>
    %add3A_163 = arith.addf %add3A_157, %squeeze3A_162 : f32
    %slice3A_164 = vector.extract_strided_slice %add3A_108 {offsets = [9], sizes = [1], strides = [1]} : vector<16xf32> to vector<1xf32>
    %squeeze3A_165 = vector.extract %slice3A_164[0] : f32 from vector<1xf32>
    %add3A_166 = arith.addf %add3A_160, %squeeze3A_165 : f32
    %slice3A_167 = vector.extract_strided_slice %add3A_109 {offsets = [9], sizes = [1], strides = [1]} : vector<16xf32> to vector<1xf32>
    %squeeze3A_168 = vector.extract %slice3A_167[0] : f32 from vector<1xf32>
    %add3A_169 = arith.addf %add3A_163, %squeeze3A_168 : f32
    %slice3A_170 = vector.extract_strided_slice %add3A_108 {offsets = [10], sizes = [1], strides = [1]} : vector<16xf32> to vector<1xf32>
    %squeeze3A_171 = vector.extract %slice3A_170[0] : f32 from vector<1xf32>
    %add3A_172 = arith.addf %add3A_166, %squeeze3A_171 : f32
    %slice3A_173 = vector.extract_strided_slice %add3A_109 {offsets = [10], sizes = [1], strides = [1]} : vector<16xf32> to vector<1xf32>
    %squeeze3A_174 = vector.extract %slice3A_173[0] : f32 from vector<1xf32>
    %add3A_175 = arith.addf %add3A_169, %squeeze3A_174 : f32
    %slice3A_176 = vector.extract_strided_slice %add3A_108 {offsets = [11], sizes = [1], strides = [1]} : vector<16xf32> to vector<1xf32>
    %squeeze3A_177 = vector.extract %slice3A_176[0] : f32 from vector<1xf32>
    %add3A_178 = arith.addf %add3A_172, %squeeze3A_177 : f32
    %slice3A_179 = vector.extract_strided_slice %add3A_109 {offsets = [11], sizes = [1], strides = [1]} : vector<16xf32> to vector<1xf32>
    %squeeze3A_180 = vector.extract %slice3A_179[0] : f32 from vector<1xf32>
    %add3A_181 = arith.addf %add3A_175, %squeeze3A_180 : f32
    %slice3A_182 = vector.extract_strided_slice %add3A_108 {offsets = [12], sizes = [1], strides = [1]} : vector<16xf32> to vector<1xf32>
    %squeeze3A_183 = vector.extract %slice3A_182[0] : f32 from vector<1xf32>
    %add3A_184 = arith.addf %add3A_178, %squeeze3A_183 : f32
    %slice3A_185 = vector.extract_strided_slice %add3A_109 {offsets = [12], sizes = [1], strides = [1]} : vector<16xf32> to vector<1xf32>
    %squeeze3A_186 = vector.extract %slice3A_185[0] : f32 from vector<1xf32>
    %add3A_187 = arith.addf %add3A_181, %squeeze3A_186 : f32
    %slice3A_188 = vector.extract_strided_slice %add3A_108 {offsets = [13], sizes = [1], strides = [1]} : vector<16xf32> to vector<1xf32>
    %squeeze3A_189 = vector.extract %slice3A_188[0] : f32 from vector<1xf32>
    %add3A_190 = arith.addf %add3A_184, %squeeze3A_189 : f32
    %slice3A_191 = vector.extract_strided_slice %add3A_109 {offsets = [13], sizes = [1], strides = [1]} : vector<16xf32> to vector<1xf32>
    %squeeze3A_192 = vector.extract %slice3A_191[0] : f32 from vector<1xf32>
    %add3A_193 = arith.addf %add3A_187, %squeeze3A_192 : f32
    %slice3A_194 = vector.extract_strided_slice %add3A_108 {offsets = [14], sizes = [1], strides = [1]} : vector<16xf32> to vector<1xf32>
    %squeeze3A_195 = vector.extract %slice3A_194[0] : f32 from vector<1xf32>
    %add3A_196 = arith.addf %add3A_190, %squeeze3A_195 : f32
    %slice3A_197 = vector.extract_strided_slice %add3A_109 {offsets = [14], sizes = [1], strides = [1]} : vector<16xf32> to vector<1xf32>
    %squeeze3A_198 = vector.extract %slice3A_197[0] : f32 from vector<1xf32>
    %add3A_199 = arith.addf %add3A_193, %squeeze3A_198 : f32
    %slice3A_200 = vector.extract_strided_slice %add3A_108 {offsets = [15], sizes = [1], strides = [1]} : vector<16xf32> to vector<1xf32>
    %squeeze3A_201 = vector.extract %slice3A_200[0] : f32 from vector<1xf32>
    %add3A_202 = arith.addf %add3A_196, %squeeze3A_201 : f32
    %slice3A_203 = vector.extract_strided_slice %add3A_109 {offsets = [15], sizes = [1], strides = [1]} : vector<16xf32> to vector<1xf32>
    %squeeze3A_204 = vector.extract %slice3A_203[0] : f32 from vector<1xf32>
    %add3A_205 = arith.addf %add3A_199, %squeeze3A_204 : f32
    %broadcast_in_dim3A_206 = vector.broadcast %add3A_202 : f32 to vector<16xf32>
    %broadcast_in_dim3A_207 = vector.broadcast %add3A_205 : f32 to vector<16xf32>
    %max3A = arith.constant 1.000000e+00 : f32
    %max3A_208 = vector.broadcast %max3A : f32 to vector<16xf32>
    %max3A_209 = arith.maximumf %broadcast_in_dim3A_207, %max3A_208 : vector<16xf32>
    %div3A_210 = arith.divf %broadcast_in_dim3A_206, %max3A_209 : vector<16xf32>
    %swap3A = arith.constant 0 : index
    %swap3A_211 = tpu.vector_load %arg6[%swap3A] {strides = array<i32>} : memref<16xf32, #tpu.memory_space<vmem>>, vector<16xf32>,
    %swap3A_212 = vector.shape_cast %swap3A_211 : vector<16xf32> to vector<16xf32>
    %swap3A_213 = vector.shape_cast %div3A_210 : vector<16xf32> to vector<16xf32>
    tpu.vector_store %arg6[%swap3A], %swap3A_213 {strides = array<i32>} : memref<16xf32, #tpu.memory_space<vmem>>, vector<16xf32>,
    "tpu.region"() ({
      %run_scoped3A = tpu.sem_alloc : memref<!tpu.dma_semaphore, #tpu.memory_space<semaphore_mem>>
      %dma_start3A_214 = arith.constant 0 : i32
      %dma_start3A_215 = tpu.memref_slice %arg4[%add3A, %dma_start3A_214] : memref<32x16xf32, #tpu.memory_space<hbm>> -> memref<1x16xf32, #tpu.memory_space<hbm>>
      %dma_start3A_216 = tpu.memref_squeeze %dma_start3A_215 : memref<1x16xf32, #tpu.memory_space<hbm>> -> memref<16xf32, #tpu.memory_space<hbm>>
      %dma_start3A_217 = arith.constant 0 : i32
      %dma_start3A_218 = tpu.memref_slice %arg4[%add3A, %dma_start3A_217] : memref<32x16xf32, #tpu.memory_space<hbm>> -> memref<1x16xf32, #tpu.memory_space<hbm>>
      %dma_start3A_219 = tpu.memref_squeeze %dma_start3A_218 : memref<1x16xf32, #tpu.memory_space<hbm>> -> memref<16xf32, #tpu.memory_space<hbm>>
      tpu.enqueue_dma source(%arg6 : memref<16xf32, #tpu.memory_space<vmem>>) target(%dma_start3A_219 : memref<16xf32, #tpu.memory_space<hbm>>) target_semaphore(%run_scoped3A : memref<!tpu.dma_semaphore, #tpu.memory_space<semaphore_mem>>)
      %dma_wait3A_220 = arith.constant 0 : i32
      %dma_wait3A_221 = tpu.memref_slice %arg4[%add3A, %dma_wait3A_220] : memref<32x16xf32, #tpu.memory_space<hbm>> -> memref<1x16xf32, #tpu.memory_space<hbm>>
      %dma_wait3A_222 = tpu.memref_squeeze %dma_wait3A_221 : memref<1x16xf32, #tpu.memory_space<hbm>> -> memref<16xf32, #tpu.memory_space<hbm>>
      %dma_wait3A_223 = arith.constant 0 : i32
      %dma_wait3A_224 = tpu.memref_slice %arg4[%add3A, %dma_wait3A_223] : memref<32x16xf32, #tpu.memory_space<hbm>> -> memref<1x16xf32, #tpu.memory_space<hbm>>
      %dma_wait3A_225 = tpu.memref_squeeze %dma_wait3A_224 : memref<1x16xf32, #tpu.memory_space<hbm>> -> memref<16xf32, #tpu.memory_space<hbm>>
      tpu.wait_dma2 semaphore(%run_scoped3A : memref<!tpu.dma_semaphore, #tpu.memory_space<semaphore_mem>>) src(%arg6 : memref<16xf32, #tpu.memory_space<vmem>>) dst(%dma_wait3A_225 : memref<16xf32, #tpu.memory_space<hbm>>)
      tpu.yield
    }) : () -> ()
    return
  }
}

module attributes {stable_mosaic.version = 14 : i64} {
  func.func @_loss_body(%arg0: i32, %arg1: memref<32x16xf32, #tpu.memory_space<smem>>, %arg2: memref<1x8x128xf32, #tpu.memory_space<vmem>>, %arg3: memref<2x2x1x128x128xf32, #tpu.memory_space<vmem>>, %arg4: memref<2x2x1x128x128xf32, #tpu.memory_space<vmem>>, %arg5: memref<1x1xf32, #tpu.memory_space<smem>>, %arg6: memref<4x8xf32, #tpu.memory_space<vmem>>) attributes {dimension_semantics = [#tpu.dimension_semantics<arbitrary>], iteration_bounds = array<i64: 17>, scalar_prefetch = 0 : i64, scratch_operands = 1 : i64, tpu.core_type = #tpu.core_type<tc>, window_params = [{transform_indices = @transform_0, window_bounds = array<i64: 32, 16>}, {transform_indices = @transform_1, window_bounds = array<i64: 1, 8, 128>}, {transform_indices = @transform_2, window_bounds = array<i64: 2, 2, 1, 128, 128>}, {transform_indices = @transform_3, window_bounds = array<i64: 2, 2, 1, 128, 128>}, {transform_indices = @transform_4, window_bounds = array<i64: 1, 1>}]} {
    %eq3A = arith.constant 0 : i32
    %eq3A_0 = arith.cmpi eq, %arg0, %eq3A : i32
    %convert_element_type3A = arith.extui %eq3A_0 : i1 to i32
    %cond3A = arith.constant 0 : i32
    %cond3A_1 = arith.cmpi ne, %convert_element_type3A, %cond3A : i32
    scf.if %cond3A_1 {
      %broadcast_in_dim3A_1489 = arith.constant 0.000000e+00 : f32
      %broadcast_in_dim3A_1490 = vector.broadcast %broadcast_in_dim3A_1489 : f32 to vector<4x8xf32>
      %swap3A_1491 = arith.constant 0 : index
      %swap3A_1492 = arith.constant 0 : index
      %swap3A_1493 = vector.load %arg6[%swap3A_1491, %swap3A_1492] : memref<4x8xf32, #tpu.memory_space<vmem>>, vector<4x8xf32>
      tpu.vector_store %arg6[%swap3A_1491, %swap3A_1492], %broadcast_in_dim3A_1490 {strides = array<i32>} : memref<4x8xf32, #tpu.memory_space<vmem>>, vector<4x8xf32>,
    } else {
    }
    %iota3A = tpu.iota {dimensions = array<i32: 0>} : vector<8x128xi32>
    %iota3A_2 = tpu.iota {dimensions = array<i32: 1>} : vector<8x128xi32>
    %convert_element_type3A_3 = arith.sitofp %iota3A_2 : vector<8x128xi32> to vector<8x128xf32>
    %eq3A_4 = arith.constant 0 : i32
    %eq3A_5 = vector.broadcast %eq3A_4 : i32 to vector<8x128xi32>
    %eq3A_6 = arith.cmpi eq, %iota3A, %eq3A_5 : vector<8x128xi32>
    %eq3A_7 = arith.constant 1 : i32
    %eq3A_8 = vector.broadcast %eq3A_7 : i32 to vector<8x128xi32>
    %eq3A_9 = arith.cmpi eq, %iota3A, %eq3A_8 : vector<8x128xi32>
    %jit3A = arith.constant 0.000000e+00 : f32
    %broadcast_in_dim3A = vector.broadcast %jit3A : f32 to vector<8x128xf32>
    %select_n3A = arith.select %eq3A_9, %convert_element_type3A_3, %broadcast_in_dim3A : vector<8x128xi1>, vector<8x128xf32>
    %jit3A_10 = arith.constant 1.000000e+00 : f32
    %broadcast_in_dim3A_11 = vector.broadcast %jit3A_10 : f32 to vector<8x128xf32>
    %select_n3A_12 = arith.select %eq3A_6, %broadcast_in_dim3A_11, %select_n3A : vector<8x128xi1>, vector<8x128xf32>
    %iota3A_13 = tpu.iota {dimensions = array<i32: 1>} : vector<8x128xi32>
    %convert_element_type3A_14 = arith.sitofp %iota3A_13 : vector<8x128xi32> to vector<8x128xf32>
    %broadcast_in_dim3A_15 = arith.constant 1.000000e+00 : f32
    %broadcast_in_dim3A_16 = vector.broadcast %broadcast_in_dim3A_15 : f32 to vector<128x8xf32>
    %get3A = arith.constant 0 : index
    %get3A_17 = arith.constant 0 : index
    %get3A_18 = arith.constant 0 : index
    %get3A_19 = vector.load %arg2[%get3A, %get3A_17, %get3A_18] : memref<1x8x128xf32, #tpu.memory_space<vmem>>, vector<1x8x128xf32>
    %get3A_20 = vector.shape_cast %get3A_19 : vector<1x8x128xf32> to vector<8x128xf32>
    %get3A_21 = arith.constant 0 : index
    %get3A_22 = arith.constant 0 : index
    %get3A_23 = arith.constant 0 : index
    %get3A_24 = arith.constant 0 : index
    %get3A_25 = arith.constant 0 : index
    %get3A_26 = vector.load %arg4[%get3A_21, %get3A_22, %get3A_23, %get3A_24, %get3A_25] : memref<2x2x1x128x128xf32, #tpu.memory_space<vmem>>, vector<1x1x1x128x128xf32>
    %get3A_27 = vector.shape_cast %get3A_26 : vector<1x1x1x128x128xf32> to vector<128x128xf32>
    %get3A_28 = arith.constant 0 : index
    %get3A_29 = arith.constant 0 : index
    %get3A_30 = arith.constant 0 : index
    %get3A_31 = arith.constant 0 : index
    %get3A_32 = arith.constant 0 : index
    %get3A_33 = vector.load %arg3[%get3A_28, %get3A_29, %get3A_30, %get3A_31, %get3A_32] : memref<2x2x1x128x128xf32, #tpu.memory_space<vmem>>, vector<1x1x1x128x128xf32>
    %get3A_34 = vector.shape_cast %get3A_33 : vector<1x1x1x128x128xf32> to vector<128x128xf32>
    %mul3A = arith.constant 3.000000e+01 : f32
    %mul3A_35 = vector.broadcast %mul3A : f32 to vector<128x128xf32>
    %mul3A_36 = arith.mulf %mul3A_35, %get3A_34 : vector<128x128xf32>
    %mul3A_37 = arith.mulf %get3A_27, %get3A_27 : vector<128x128xf32>
    %mul3A_38 = arith.constant 6.000000e+01 : f32
    %mul3A_39 = vector.broadcast %mul3A_38 : f32 to vector<128x128xf32>
    %mul3A_40 = arith.mulf %mul3A_39, %mul3A_37 : vector<128x128xf32>
    %sub3A = arith.subf %mul3A_36, %mul3A_40 : vector<128x128xf32>
    %get3A_41 = arith.constant 0 : index
    %get3A_42 = arith.constant 0 : index
    %get3A_43 = memref.load %arg1[%get3A_41, %get3A_42] : memref<32x16xf32, #tpu.memory_space<smem>>
    %mul3A_44 = arith.constant 1.200000e+02 : f32
    %mul3A_45 = arith.mulf %mul3A_44, %get3A_43 : f32
    %mul3A_46 = vector.broadcast %mul3A_45 : f32 to vector<128x128xf32>
    %mul3A_47 = arith.mulf %mul3A_46, %get3A_27 : vector<128x128xf32>
    %add3A = arith.addf %sub3A, %mul3A_47 : vector<128x128xf32>
    %reduce_max3A = arith.constant dense<0xFF800000> : vector<128xf32>
    %reduce_max3A_48 = vector.multi_reduction <maximumf>, %add3A, %reduce_max3A [0] : vector<128x128xf32> to vector<128xf32>
    %broadcast_in_dim3A_49 = vector.shape_cast %reduce_max3A_48 : vector<128xf32> to vector<1x128xf32>
    %get3A_50 = arith.constant 1 : index
    %get3A_51 = arith.constant 0 : index
    %get3A_52 = memref.load %arg1[%get3A_50, %get3A_51] : memref<32x16xf32, #tpu.memory_space<smem>>
    %mul3A_53 = arith.constant 1.200000e+02 : f32
    %mul3A_54 = arith.mulf %mul3A_53, %get3A_52 : f32
    %mul3A_55 = vector.broadcast %mul3A_54 : f32 to vector<128x128xf32>
    %mul3A_56 = arith.mulf %mul3A_55, %get3A_27 : vector<128x128xf32>
    %add3A_57 = arith.addf %sub3A, %mul3A_56 : vector<128x128xf32>
    %reduce_max3A_58 = arith.constant dense<0xFF800000> : vector<128xf32>
    %reduce_max3A_59 = vector.multi_reduction <maximumf>, %add3A_57, %reduce_max3A_58 [0] : vector<128x128xf32> to vector<128xf32>
    %broadcast_in_dim3A_60 = vector.shape_cast %reduce_max3A_59 : vector<128xf32> to vector<1x128xf32>
    %get3A_61 = arith.constant 2 : index
    %get3A_62 = arith.constant 0 : index
    %get3A_63 = memref.load %arg1[%get3A_61, %get3A_62] : memref<32x16xf32, #tpu.memory_space<smem>>
    %mul3A_64 = arith.constant 1.200000e+02 : f32
    %mul3A_65 = arith.mulf %mul3A_64, %get3A_63 : f32
    %mul3A_66 = vector.broadcast %mul3A_65 : f32 to vector<128x128xf32>
    %mul3A_67 = arith.mulf %mul3A_66, %get3A_27 : vector<128x128xf32>
    %add3A_68 = arith.addf %sub3A, %mul3A_67 : vector<128x128xf32>
    %reduce_max3A_69 = arith.constant dense<0xFF800000> : vector<128xf32>
    %reduce_max3A_70 = vector.multi_reduction <maximumf>, %add3A_68, %reduce_max3A_69 [0] : vector<128x128xf32> to vector<128xf32>
    %broadcast_in_dim3A_71 = vector.shape_cast %reduce_max3A_70 : vector<128xf32> to vector<1x128xf32>
    %get3A_72 = arith.constant 3 : index
    %get3A_73 = arith.constant 0 : index
    %get3A_74 = memref.load %arg1[%get3A_72, %get3A_73] : memref<32x16xf32, #tpu.memory_space<smem>>
    %mul3A_75 = arith.constant 1.200000e+02 : f32
    %mul3A_76 = arith.mulf %mul3A_75, %get3A_74 : f32
    %mul3A_77 = vector.broadcast %mul3A_76 : f32 to vector<128x128xf32>
    %mul3A_78 = arith.mulf %mul3A_77, %get3A_27 : vector<128x128xf32>
    %add3A_79 = arith.addf %sub3A, %mul3A_78 : vector<128x128xf32>
    %reduce_max3A_80 = arith.constant dense<0xFF800000> : vector<128xf32>
    %reduce_max3A_81 = vector.multi_reduction <maximumf>, %add3A_79, %reduce_max3A_80 [0] : vector<128x128xf32> to vector<128xf32>
    %broadcast_in_dim3A_82 = vector.shape_cast %reduce_max3A_81 : vector<128xf32> to vector<1x128xf32>
    %get3A_83 = arith.constant 4 : index
    %get3A_84 = arith.constant 0 : index
    %get3A_85 = memref.load %arg1[%get3A_83, %get3A_84] : memref<32x16xf32, #tpu.memory_space<smem>>
    %mul3A_86 = arith.constant 1.200000e+02 : f32
    %mul3A_87 = arith.mulf %mul3A_86, %get3A_85 : f32
    %mul3A_88 = vector.broadcast %mul3A_87 : f32 to vector<128x128xf32>
    %mul3A_89 = arith.mulf %mul3A_88, %get3A_27 : vector<128x128xf32>
    %add3A_90 = arith.addf %sub3A, %mul3A_89 : vector<128x128xf32>
    %reduce_max3A_91 = arith.constant dense<0xFF800000> : vector<128xf32>
    %reduce_max3A_92 = vector.multi_reduction <maximumf>, %add3A_90, %reduce_max3A_91 [0] : vector<128x128xf32> to vector<128xf32>
    %broadcast_in_dim3A_93 = vector.shape_cast %reduce_max3A_92 : vector<128xf32> to vector<1x128xf32>
    %get3A_94 = arith.constant 5 : index
    %get3A_95 = arith.constant 0 : index
    %get3A_96 = memref.load %arg1[%get3A_94, %get3A_95] : memref<32x16xf32, #tpu.memory_space<smem>>
    %mul3A_97 = arith.constant 1.200000e+02 : f32
    %mul3A_98 = arith.mulf %mul3A_97, %get3A_96 : f32
    %mul3A_99 = vector.broadcast %mul3A_98 : f32 to vector<128x128xf32>
    %mul3A_100 = arith.mulf %mul3A_99, %get3A_27 : vector<128x128xf32>
    %add3A_101 = arith.addf %sub3A, %mul3A_100 : vector<128x128xf32>
    %reduce_max3A_102 = arith.constant dense<0xFF800000> : vector<128xf32>
    %reduce_max3A_103 = vector.multi_reduction <maximumf>, %add3A_101, %reduce_max3A_102 [0] : vector<128x128xf32> to vector<128xf32>
    %broadcast_in_dim3A_104 = vector.shape_cast %reduce_max3A_103 : vector<128xf32> to vector<1x128xf32>
    %get3A_105 = arith.constant 6 : index
    %get3A_106 = arith.constant 0 : index
    %get3A_107 = memref.load %arg1[%get3A_105, %get3A_106] : memref<32x16xf32, #tpu.memory_space<smem>>
    %mul3A_108 = arith.constant 1.200000e+02 : f32
    %mul3A_109 = arith.mulf %mul3A_108, %get3A_107 : f32
    %mul3A_110 = vector.broadcast %mul3A_109 : f32 to vector<128x128xf32>
    %mul3A_111 = arith.mulf %mul3A_110, %get3A_27 : vector<128x128xf32>
    %add3A_112 = arith.addf %sub3A, %mul3A_111 : vector<128x128xf32>
    %reduce_max3A_113 = arith.constant dense<0xFF800000> : vector<128xf32>
    %reduce_max3A_114 = vector.multi_reduction <maximumf>, %add3A_112, %reduce_max3A_113 [0] : vector<128x128xf32> to vector<128xf32>
    %broadcast_in_dim3A_115 = vector.shape_cast %reduce_max3A_114 : vector<128xf32> to vector<1x128xf32>
    %get3A_116 = arith.constant 7 : index
    %get3A_117 = arith.constant 0 : index
    %get3A_118 = memref.load %arg1[%get3A_116, %get3A_117] : memref<32x16xf32, #tpu.memory_space<smem>>
    %mul3A_119 = arith.constant 1.200000e+02 : f32
    %mul3A_120 = arith.mulf %mul3A_119, %get3A_118 : f32
    %mul3A_121 = vector.broadcast %mul3A_120 : f32 to vector<128x128xf32>
    %mul3A_122 = arith.mulf %mul3A_121, %get3A_27 : vector<128x128xf32>
    %add3A_123 = arith.addf %sub3A, %mul3A_122 : vector<128x128xf32>
    %reduce_max3A_124 = arith.constant dense<0xFF800000> : vector<128xf32>
    %reduce_max3A_125 = vector.multi_reduction <maximumf>, %add3A_123, %reduce_max3A_124 [0] : vector<128x128xf32> to vector<128xf32>
    %broadcast_in_dim3A_126 = vector.shape_cast %reduce_max3A_125 : vector<128xf32> to vector<1x128xf32>
    %concatenate3A = tpu.concatenate %broadcast_in_dim3A_49, %broadcast_in_dim3A_60, %broadcast_in_dim3A_71, %broadcast_in_dim3A_82, %broadcast_in_dim3A_93, %broadcast_in_dim3A_104, %broadcast_in_dim3A_115, %broadcast_in_dim3A_126 in 0 : vector<1x128xf32>, vector<1x128xf32>, vector<1x128xf32>, vector<1x128xf32>, vector<1x128xf32>, vector<1x128xf32>, vector<1x128xf32>, vector<1x128xf32> -> vector<8x128xf32>
    %get3A_127 = arith.constant 0 : index
    %get3A_128 = arith.constant 1 : index
    %get3A_129 = arith.constant 0 : index
    %get3A_130 = arith.constant 0 : index
    %get3A_131 = arith.constant 0 : index
    %get3A_132 = vector.load %arg4[%get3A_127, %get3A_128, %get3A_129, %get3A_130, %get3A_131] : memref<2x2x1x128x128xf32, #tpu.memory_space<vmem>>, vector<1x1x1x128x128xf32>
    %get3A_133 = vector.shape_cast %get3A_132 : vector<1x1x1x128x128xf32> to vector<128x128xf32>
    %get3A_134 = arith.constant 0 : index
    %get3A_135 = arith.constant 1 : index
    %get3A_136 = arith.constant 0 : index
    %get3A_137 = arith.constant 0 : index
    %get3A_138 = arith.constant 0 : index
    %get3A_139 = vector.load %arg3[%get3A_134, %get3A_135, %get3A_136, %get3A_137, %get3A_138] : memref<2x2x1x128x128xf32, #tpu.memory_space<vmem>>, vector<1x1x1x128x128xf32>
    %get3A_140 = vector.shape_cast %get3A_139 : vector<1x1x1x128x128xf32> to vector<128x128xf32>
    %mul3A_141 = arith.constant 3.000000e+01 : f32
    %mul3A_142 = vector.broadcast %mul3A_141 : f32 to vector<128x128xf32>
    %mul3A_143 = arith.mulf %mul3A_142, %get3A_140 : vector<128x128xf32>
    %mul3A_144 = arith.mulf %get3A_133, %get3A_133 : vector<128x128xf32>
    %mul3A_145 = arith.constant 6.000000e+01 : f32
    %mul3A_146 = vector.broadcast %mul3A_145 : f32 to vector<128x128xf32>
    %mul3A_147 = arith.mulf %mul3A_146, %mul3A_144 : vector<128x128xf32>
    %sub3A_148 = arith.subf %mul3A_143, %mul3A_147 : vector<128x128xf32>
    %get3A_149 = arith.constant 8 : index
    %get3A_150 = arith.constant 0 : index
    %get3A_151 = memref.load %arg1[%get3A_149, %get3A_150] : memref<32x16xf32, #tpu.memory_space<smem>>
    %mul3A_152 = arith.constant 1.200000e+02 : f32
    %mul3A_153 = arith.mulf %mul3A_152, %get3A_151 : f32
    %mul3A_154 = vector.broadcast %mul3A_153 : f32 to vector<128x128xf32>
    %mul3A_155 = arith.mulf %mul3A_154, %get3A_133 : vector<128x128xf32>
    %add3A_156 = arith.addf %sub3A_148, %mul3A_155 : vector<128x128xf32>
    %reduce_max3A_157 = arith.constant dense<0xFF800000> : vector<128xf32>
    %reduce_max3A_158 = vector.multi_reduction <maximumf>, %add3A_156, %reduce_max3A_157 [0] : vector<128x128xf32> to vector<128xf32>
    %broadcast_in_dim3A_159 = vector.shape_cast %reduce_max3A_158 : vector<128xf32> to vector<1x128xf32>
    %get3A_160 = arith.constant 9 : index
    %get3A_161 = arith.constant 0 : index
    %get3A_162 = memref.load %arg1[%get3A_160, %get3A_161] : memref<32x16xf32, #tpu.memory_space<smem>>
    %mul3A_163 = arith.constant 1.200000e+02 : f32
    %mul3A_164 = arith.mulf %mul3A_163, %get3A_162 : f32
    %mul3A_165 = vector.broadcast %mul3A_164 : f32 to vector<128x128xf32>
    %mul3A_166 = arith.mulf %mul3A_165, %get3A_133 : vector<128x128xf32>
    %add3A_167 = arith.addf %sub3A_148, %mul3A_166 : vector<128x128xf32>
    %reduce_max3A_168 = arith.constant dense<0xFF800000> : vector<128xf32>
    %reduce_max3A_169 = vector.multi_reduction <maximumf>, %add3A_167, %reduce_max3A_168 [0] : vector<128x128xf32> to vector<128xf32>
    %broadcast_in_dim3A_170 = vector.shape_cast %reduce_max3A_169 : vector<128xf32> to vector<1x128xf32>
    %get3A_171 = arith.constant 10 : index
    %get3A_172 = arith.constant 0 : index
    %get3A_173 = memref.load %arg1[%get3A_171, %get3A_172] : memref<32x16xf32, #tpu.memory_space<smem>>
    %mul3A_174 = arith.constant 1.200000e+02 : f32
    %mul3A_175 = arith.mulf %mul3A_174, %get3A_173 : f32
    %mul3A_176 = vector.broadcast %mul3A_175 : f32 to vector<128x128xf32>
    %mul3A_177 = arith.mulf %mul3A_176, %get3A_133 : vector<128x128xf32>
    %add3A_178 = arith.addf %sub3A_148, %mul3A_177 : vector<128x128xf32>
    %reduce_max3A_179 = arith.constant dense<0xFF800000> : vector<128xf32>
    %reduce_max3A_180 = vector.multi_reduction <maximumf>, %add3A_178, %reduce_max3A_179 [0] : vector<128x128xf32> to vector<128xf32>
    %broadcast_in_dim3A_181 = vector.shape_cast %reduce_max3A_180 : vector<128xf32> to vector<1x128xf32>
    %get3A_182 = arith.constant 11 : index
    %get3A_183 = arith.constant 0 : index
    %get3A_184 = memref.load %arg1[%get3A_182, %get3A_183] : memref<32x16xf32, #tpu.memory_space<smem>>
    %mul3A_185 = arith.constant 1.200000e+02 : f32
    %mul3A_186 = arith.mulf %mul3A_185, %get3A_184 : f32
    %mul3A_187 = vector.broadcast %mul3A_186 : f32 to vector<128x128xf32>
    %mul3A_188 = arith.mulf %mul3A_187, %get3A_133 : vector<128x128xf32>
    %add3A_189 = arith.addf %sub3A_148, %mul3A_188 : vector<128x128xf32>
    %reduce_max3A_190 = arith.constant dense<0xFF800000> : vector<128xf32>
    %reduce_max3A_191 = vector.multi_reduction <maximumf>, %add3A_189, %reduce_max3A_190 [0] : vector<128x128xf32> to vector<128xf32>
    %broadcast_in_dim3A_192 = vector.shape_cast %reduce_max3A_191 : vector<128xf32> to vector<1x128xf32>
    %get3A_193 = arith.constant 12 : index
    %get3A_194 = arith.constant 0 : index
    %get3A_195 = memref.load %arg1[%get3A_193, %get3A_194] : memref<32x16xf32, #tpu.memory_space<smem>>
    %mul3A_196 = arith.constant 1.200000e+02 : f32
    %mul3A_197 = arith.mulf %mul3A_196, %get3A_195 : f32
    %mul3A_198 = vector.broadcast %mul3A_197 : f32 to vector<128x128xf32>
    %mul3A_199 = arith.mulf %mul3A_198, %get3A_133 : vector<128x128xf32>
    %add3A_200 = arith.addf %sub3A_148, %mul3A_199 : vector<128x128xf32>
    %reduce_max3A_201 = arith.constant dense<0xFF800000> : vector<128xf32>
    %reduce_max3A_202 = vector.multi_reduction <maximumf>, %add3A_200, %reduce_max3A_201 [0] : vector<128x128xf32> to vector<128xf32>
    %broadcast_in_dim3A_203 = vector.shape_cast %reduce_max3A_202 : vector<128xf32> to vector<1x128xf32>
    %get3A_204 = arith.constant 13 : index
    %get3A_205 = arith.constant 0 : index
    %get3A_206 = memref.load %arg1[%get3A_204, %get3A_205] : memref<32x16xf32, #tpu.memory_space<smem>>
    %mul3A_207 = arith.constant 1.200000e+02 : f32
    %mul3A_208 = arith.mulf %mul3A_207, %get3A_206 : f32
    %mul3A_209 = vector.broadcast %mul3A_208 : f32 to vector<128x128xf32>
    %mul3A_210 = arith.mulf %mul3A_209, %get3A_133 : vector<128x128xf32>
    %add3A_211 = arith.addf %sub3A_148, %mul3A_210 : vector<128x128xf32>
    %reduce_max3A_212 = arith.constant dense<0xFF800000> : vector<128xf32>
    %reduce_max3A_213 = vector.multi_reduction <maximumf>, %add3A_211, %reduce_max3A_212 [0] : vector<128x128xf32> to vector<128xf32>
    %broadcast_in_dim3A_214 = vector.shape_cast %reduce_max3A_213 : vector<128xf32> to vector<1x128xf32>
    %get3A_215 = arith.constant 14 : index
    %get3A_216 = arith.constant 0 : index
    %get3A_217 = memref.load %arg1[%get3A_215, %get3A_216] : memref<32x16xf32, #tpu.memory_space<smem>>
    %mul3A_218 = arith.constant 1.200000e+02 : f32
    %mul3A_219 = arith.mulf %mul3A_218, %get3A_217 : f32
    %mul3A_220 = vector.broadcast %mul3A_219 : f32 to vector<128x128xf32>
    %mul3A_221 = arith.mulf %mul3A_220, %get3A_133 : vector<128x128xf32>
    %add3A_222 = arith.addf %sub3A_148, %mul3A_221 : vector<128x128xf32>
    %reduce_max3A_223 = arith.constant dense<0xFF800000> : vector<128xf32>
    %reduce_max3A_224 = vector.multi_reduction <maximumf>, %add3A_222, %reduce_max3A_223 [0] : vector<128x128xf32> to vector<128xf32>
    %broadcast_in_dim3A_225 = vector.shape_cast %reduce_max3A_224 : vector<128xf32> to vector<1x128xf32>
    %get3A_226 = arith.constant 15 : index
    %get3A_227 = arith.constant 0 : index
    %get3A_228 = memref.load %arg1[%get3A_226, %get3A_227] : memref<32x16xf32, #tpu.memory_space<smem>>
    %mul3A_229 = arith.constant 1.200000e+02 : f32
    %mul3A_230 = arith.mulf %mul3A_229, %get3A_228 : f32
    %mul3A_231 = vector.broadcast %mul3A_230 : f32 to vector<128x128xf32>
    %mul3A_232 = arith.mulf %mul3A_231, %get3A_133 : vector<128x128xf32>
    %add3A_233 = arith.addf %sub3A_148, %mul3A_232 : vector<128x128xf32>
    %reduce_max3A_234 = arith.constant dense<0xFF800000> : vector<128xf32>
    %reduce_max3A_235 = vector.multi_reduction <maximumf>, %add3A_233, %reduce_max3A_234 [0] : vector<128x128xf32> to vector<128xf32>
    %broadcast_in_dim3A_236 = vector.shape_cast %reduce_max3A_235 : vector<128xf32> to vector<1x128xf32>
    %concatenate3A_237 = tpu.concatenate %broadcast_in_dim3A_159, %broadcast_in_dim3A_170, %broadcast_in_dim3A_181, %broadcast_in_dim3A_192, %broadcast_in_dim3A_203, %broadcast_in_dim3A_214, %broadcast_in_dim3A_225, %broadcast_in_dim3A_236 in 0 : vector<1x128xf32>, vector<1x128xf32>, vector<1x128xf32>, vector<1x128xf32>, vector<1x128xf32>, vector<1x128xf32>, vector<1x128xf32>, vector<1x128xf32> -> vector<8x128xf32>
    %get3A_238 = arith.constant 1 : index
    %get3A_239 = arith.constant 0 : index
    %get3A_240 = arith.constant 0 : index
    %get3A_241 = arith.constant 0 : index
    %get3A_242 = arith.constant 0 : index
    %get3A_243 = vector.load %arg4[%get3A_238, %get3A_239, %get3A_240, %get3A_241, %get3A_242] : memref<2x2x1x128x128xf32, #tpu.memory_space<vmem>>, vector<1x1x1x128x128xf32>
    %get3A_244 = vector.shape_cast %get3A_243 : vector<1x1x1x128x128xf32> to vector<128x128xf32>
    %get3A_245 = arith.constant 1 : index
    %get3A_246 = arith.constant 0 : index
    %get3A_247 = arith.constant 0 : index
    %get3A_248 = arith.constant 0 : index
    %get3A_249 = arith.constant 0 : index
    %get3A_250 = vector.load %arg3[%get3A_245, %get3A_246, %get3A_247, %get3A_248, %get3A_249] : memref<2x2x1x128x128xf32, #tpu.memory_space<vmem>>, vector<1x1x1x128x128xf32>
    %get3A_251 = vector.shape_cast %get3A_250 : vector<1x1x1x128x128xf32> to vector<128x128xf32>
    %mul3A_252 = arith.constant 3.000000e+01 : f32
    %mul3A_253 = vector.broadcast %mul3A_252 : f32 to vector<128x128xf32>
    %mul3A_254 = arith.mulf %mul3A_253, %get3A_251 : vector<128x128xf32>
    %mul3A_255 = arith.mulf %get3A_244, %get3A_244 : vector<128x128xf32>
    %mul3A_256 = arith.constant 6.000000e+01 : f32
    %mul3A_257 = vector.broadcast %mul3A_256 : f32 to vector<128x128xf32>
    %mul3A_258 = arith.mulf %mul3A_257, %mul3A_255 : vector<128x128xf32>
    %sub3A_259 = arith.subf %mul3A_254, %mul3A_258 : vector<128x128xf32>
    %get3A_260 = arith.constant 16 : index
    %get3A_261 = arith.constant 0 : index
    %get3A_262 = memref.load %arg1[%get3A_260, %get3A_261] : memref<32x16xf32, #tpu.memory_space<smem>>
    %mul3A_263 = arith.constant 1.200000e+02 : f32
    %mul3A_264 = arith.mulf %mul3A_263, %get3A_262 : f32
    %mul3A_265 = vector.broadcast %mul3A_264 : f32 to vector<128x128xf32>
    %mul3A_266 = arith.mulf %mul3A_265, %get3A_244 : vector<128x128xf32>
    %add3A_267 = arith.addf %sub3A_259, %mul3A_266 : vector<128x128xf32>
    %reduce_max3A_268 = arith.constant dense<0xFF800000> : vector<128xf32>
    %reduce_max3A_269 = vector.multi_reduction <maximumf>, %add3A_267, %reduce_max3A_268 [0] : vector<128x128xf32> to vector<128xf32>
    %broadcast_in_dim3A_270 = vector.shape_cast %reduce_max3A_269 : vector<128xf32> to vector<1x128xf32>
    %get3A_271 = arith.constant 17 : index
    %get3A_272 = arith.constant 0 : index
    %get3A_273 = memref.load %arg1[%get3A_271, %get3A_272] : memref<32x16xf32, #tpu.memory_space<smem>>
    %mul3A_274 = arith.constant 1.200000e+02 : f32
    %mul3A_275 = arith.mulf %mul3A_274, %get3A_273 : f32
    %mul3A_276 = vector.broadcast %mul3A_275 : f32 to vector<128x128xf32>
    %mul3A_277 = arith.mulf %mul3A_276, %get3A_244 : vector<128x128xf32>
    %add3A_278 = arith.addf %sub3A_259, %mul3A_277 : vector<128x128xf32>
    %reduce_max3A_279 = arith.constant dense<0xFF800000> : vector<128xf32>
    %reduce_max3A_280 = vector.multi_reduction <maximumf>, %add3A_278, %reduce_max3A_279 [0] : vector<128x128xf32> to vector<128xf32>
    %broadcast_in_dim3A_281 = vector.shape_cast %reduce_max3A_280 : vector<128xf32> to vector<1x128xf32>
    %get3A_282 = arith.constant 18 : index
    %get3A_283 = arith.constant 0 : index
    %get3A_284 = memref.load %arg1[%get3A_282, %get3A_283] : memref<32x16xf32, #tpu.memory_space<smem>>
    %mul3A_285 = arith.constant 1.200000e+02 : f32
    %mul3A_286 = arith.mulf %mul3A_285, %get3A_284 : f32
    %mul3A_287 = vector.broadcast %mul3A_286 : f32 to vector<128x128xf32>
    %mul3A_288 = arith.mulf %mul3A_287, %get3A_244 : vector<128x128xf32>
    %add3A_289 = arith.addf %sub3A_259, %mul3A_288 : vector<128x128xf32>
    %reduce_max3A_290 = arith.constant dense<0xFF800000> : vector<128xf32>
    %reduce_max3A_291 = vector.multi_reduction <maximumf>, %add3A_289, %reduce_max3A_290 [0] : vector<128x128xf32> to vector<128xf32>
    %broadcast_in_dim3A_292 = vector.shape_cast %reduce_max3A_291 : vector<128xf32> to vector<1x128xf32>
    %get3A_293 = arith.constant 19 : index
    %get3A_294 = arith.constant 0 : index
    %get3A_295 = memref.load %arg1[%get3A_293, %get3A_294] : memref<32x16xf32, #tpu.memory_space<smem>>
    %mul3A_296 = arith.constant 1.200000e+02 : f32
    %mul3A_297 = arith.mulf %mul3A_296, %get3A_295 : f32
    %mul3A_298 = vector.broadcast %mul3A_297 : f32 to vector<128x128xf32>
    %mul3A_299 = arith.mulf %mul3A_298, %get3A_244 : vector<128x128xf32>
    %add3A_300 = arith.addf %sub3A_259, %mul3A_299 : vector<128x128xf32>
    %reduce_max3A_301 = arith.constant dense<0xFF800000> : vector<128xf32>
    %reduce_max3A_302 = vector.multi_reduction <maximumf>, %add3A_300, %reduce_max3A_301 [0] : vector<128x128xf32> to vector<128xf32>
    %broadcast_in_dim3A_303 = vector.shape_cast %reduce_max3A_302 : vector<128xf32> to vector<1x128xf32>
    %get3A_304 = arith.constant 20 : index
    %get3A_305 = arith.constant 0 : index
    %get3A_306 = memref.load %arg1[%get3A_304, %get3A_305] : memref<32x16xf32, #tpu.memory_space<smem>>
    %mul3A_307 = arith.constant 1.200000e+02 : f32
    %mul3A_308 = arith.mulf %mul3A_307, %get3A_306 : f32
    %mul3A_309 = vector.broadcast %mul3A_308 : f32 to vector<128x128xf32>
    %mul3A_310 = arith.mulf %mul3A_309, %get3A_244 : vector<128x128xf32>
    %add3A_311 = arith.addf %sub3A_259, %mul3A_310 : vector<128x128xf32>
    %reduce_max3A_312 = arith.constant dense<0xFF800000> : vector<128xf32>
    %reduce_max3A_313 = vector.multi_reduction <maximumf>, %add3A_311, %reduce_max3A_312 [0] : vector<128x128xf32> to vector<128xf32>
    %broadcast_in_dim3A_314 = vector.shape_cast %reduce_max3A_313 : vector<128xf32> to vector<1x128xf32>
    %get3A_315 = arith.constant 21 : index
    %get3A_316 = arith.constant 0 : index
    %get3A_317 = memref.load %arg1[%get3A_315, %get3A_316] : memref<32x16xf32, #tpu.memory_space<smem>>
    %mul3A_318 = arith.constant 1.200000e+02 : f32
    %mul3A_319 = arith.mulf %mul3A_318, %get3A_317 : f32
    %mul3A_320 = vector.broadcast %mul3A_319 : f32 to vector<128x128xf32>
    %mul3A_321 = arith.mulf %mul3A_320, %get3A_244 : vector<128x128xf32>
    %add3A_322 = arith.addf %sub3A_259, %mul3A_321 : vector<128x128xf32>
    %reduce_max3A_323 = arith.constant dense<0xFF800000> : vector<128xf32>
    %reduce_max3A_324 = vector.multi_reduction <maximumf>, %add3A_322, %reduce_max3A_323 [0] : vector<128x128xf32> to vector<128xf32>
    %broadcast_in_dim3A_325 = vector.shape_cast %reduce_max3A_324 : vector<128xf32> to vector<1x128xf32>
    %get3A_326 = arith.constant 22 : index
    %get3A_327 = arith.constant 0 : index
    %get3A_328 = memref.load %arg1[%get3A_326, %get3A_327] : memref<32x16xf32, #tpu.memory_space<smem>>
    %mul3A_329 = arith.constant 1.200000e+02 : f32
    %mul3A_330 = arith.mulf %mul3A_329, %get3A_328 : f32
    %mul3A_331 = vector.broadcast %mul3A_330 : f32 to vector<128x128xf32>
    %mul3A_332 = arith.mulf %mul3A_331, %get3A_244 : vector<128x128xf32>
    %add3A_333 = arith.addf %sub3A_259, %mul3A_332 : vector<128x128xf32>
    %reduce_max3A_334 = arith.constant dense<0xFF800000> : vector<128xf32>
    %reduce_max3A_335 = vector.multi_reduction <maximumf>, %add3A_333, %reduce_max3A_334 [0] : vector<128x128xf32> to vector<128xf32>
    %broadcast_in_dim3A_336 = vector.shape_cast %reduce_max3A_335 : vector<128xf32> to vector<1x128xf32>
    %get3A_337 = arith.constant 23 : index
    %get3A_338 = arith.constant 0 : index
    %get3A_339 = memref.load %arg1[%get3A_337, %get3A_338] : memref<32x16xf32, #tpu.memory_space<smem>>
    %mul3A_340 = arith.constant 1.200000e+02 : f32
    %mul3A_341 = arith.mulf %mul3A_340, %get3A_339 : f32
    %mul3A_342 = vector.broadcast %mul3A_341 : f32 to vector<128x128xf32>
    %mul3A_343 = arith.mulf %mul3A_342, %get3A_244 : vector<128x128xf32>
    %add3A_344 = arith.addf %sub3A_259, %mul3A_343 : vector<128x128xf32>
    %reduce_max3A_345 = arith.constant dense<0xFF800000> : vector<128xf32>
    %reduce_max3A_346 = vector.multi_reduction <maximumf>, %add3A_344, %reduce_max3A_345 [0] : vector<128x128xf32> to vector<128xf32>
    %broadcast_in_dim3A_347 = vector.shape_cast %reduce_max3A_346 : vector<128xf32> to vector<1x128xf32>
    %concatenate3A_348 = tpu.concatenate %broadcast_in_dim3A_270, %broadcast_in_dim3A_281, %broadcast_in_dim3A_292, %broadcast_in_dim3A_303, %broadcast_in_dim3A_314, %broadcast_in_dim3A_325, %broadcast_in_dim3A_336, %broadcast_in_dim3A_347 in 0 : vector<1x128xf32>, vector<1x128xf32>, vector<1x128xf32>, vector<1x128xf32>, vector<1x128xf32>, vector<1x128xf32>, vector<1x128xf32>, vector<1x128xf32> -> vector<8x128xf32>
    %get3A_349 = arith.constant 1 : index
    %get3A_350 = arith.constant 1 : index
    %get3A_351 = arith.constant 0 : index
    %get3A_352 = arith.constant 0 : index
    %get3A_353 = arith.constant 0 : index
    %get3A_354 = vector.load %arg4[%get3A_349, %get3A_350, %get3A_351, %get3A_352, %get3A_353] : memref<2x2x1x128x128xf32, #tpu.memory_space<vmem>>, vector<1x1x1x128x128xf32>
    %get3A_355 = vector.shape_cast %get3A_354 : vector<1x1x1x128x128xf32> to vector<128x128xf32>
    %get3A_356 = arith.constant 1 : index
    %get3A_357 = arith.constant 1 : index
    %get3A_358 = arith.constant 0 : index
    %get3A_359 = arith.constant 0 : index
    %get3A_360 = arith.constant 0 : index
    %get3A_361 = vector.load %arg3[%get3A_356, %get3A_357, %get3A_358, %get3A_359, %get3A_360] : memref<2x2x1x128x128xf32, #tpu.memory_space<vmem>>, vector<1x1x1x128x128xf32>
    %get3A_362 = vector.shape_cast %get3A_361 : vector<1x1x1x128x128xf32> to vector<128x128xf32>
    %mul3A_363 = arith.constant 3.000000e+01 : f32
    %mul3A_364 = vector.broadcast %mul3A_363 : f32 to vector<128x128xf32>
    %mul3A_365 = arith.mulf %mul3A_364, %get3A_362 : vector<128x128xf32>
    %mul3A_366 = arith.mulf %get3A_355, %get3A_355 : vector<128x128xf32>
    %mul3A_367 = arith.constant 6.000000e+01 : f32
    %mul3A_368 = vector.broadcast %mul3A_367 : f32 to vector<128x128xf32>
    %mul3A_369 = arith.mulf %mul3A_368, %mul3A_366 : vector<128x128xf32>
    %sub3A_370 = arith.subf %mul3A_365, %mul3A_369 : vector<128x128xf32>
    %get3A_371 = arith.constant 24 : index
    %get3A_372 = arith.constant 0 : index
    %get3A_373 = memref.load %arg1[%get3A_371, %get3A_372] : memref<32x16xf32, #tpu.memory_space<smem>>
    %mul3A_374 = arith.constant 1.200000e+02 : f32
    %mul3A_375 = arith.mulf %mul3A_374, %get3A_373 : f32
    %mul3A_376 = vector.broadcast %mul3A_375 : f32 to vector<128x128xf32>
    %mul3A_377 = arith.mulf %mul3A_376, %get3A_355 : vector<128x128xf32>
    %add3A_378 = arith.addf %sub3A_370, %mul3A_377 : vector<128x128xf32>
    %reduce_max3A_379 = arith.constant dense<0xFF800000> : vector<128xf32>
    %reduce_max3A_380 = vector.multi_reduction <maximumf>, %add3A_378, %reduce_max3A_379 [0] : vector<128x128xf32> to vector<128xf32>
    %broadcast_in_dim3A_381 = vector.shape_cast %reduce_max3A_380 : vector<128xf32> to vector<1x128xf32>
    %get3A_382 = arith.constant 25 : index
    %get3A_383 = arith.constant 0 : index
    %get3A_384 = memref.load %arg1[%get3A_382, %get3A_383] : memref<32x16xf32, #tpu.memory_space<smem>>
    %mul3A_385 = arith.constant 1.200000e+02 : f32
    %mul3A_386 = arith.mulf %mul3A_385, %get3A_384 : f32
    %mul3A_387 = vector.broadcast %mul3A_386 : f32 to vector<128x128xf32>
    %mul3A_388 = arith.mulf %mul3A_387, %get3A_355 : vector<128x128xf32>
    %add3A_389 = arith.addf %sub3A_370, %mul3A_388 : vector<128x128xf32>
    %reduce_max3A_390 = arith.constant dense<0xFF800000> : vector<128xf32>
    %reduce_max3A_391 = vector.multi_reduction <maximumf>, %add3A_389, %reduce_max3A_390 [0] : vector<128x128xf32> to vector<128xf32>
    %broadcast_in_dim3A_392 = vector.shape_cast %reduce_max3A_391 : vector<128xf32> to vector<1x128xf32>
    %get3A_393 = arith.constant 26 : index
    %get3A_394 = arith.constant 0 : index
    %get3A_395 = memref.load %arg1[%get3A_393, %get3A_394] : memref<32x16xf32, #tpu.memory_space<smem>>
    %mul3A_396 = arith.constant 1.200000e+02 : f32
    %mul3A_397 = arith.mulf %mul3A_396, %get3A_395 : f32
    %mul3A_398 = vector.broadcast %mul3A_397 : f32 to vector<128x128xf32>
    %mul3A_399 = arith.mulf %mul3A_398, %get3A_355 : vector<128x128xf32>
    %add3A_400 = arith.addf %sub3A_370, %mul3A_399 : vector<128x128xf32>
    %reduce_max3A_401 = arith.constant dense<0xFF800000> : vector<128xf32>
    %reduce_max3A_402 = vector.multi_reduction <maximumf>, %add3A_400, %reduce_max3A_401 [0] : vector<128x128xf32> to vector<128xf32>
    %broadcast_in_dim3A_403 = vector.shape_cast %reduce_max3A_402 : vector<128xf32> to vector<1x128xf32>
    %get3A_404 = arith.constant 27 : index
    %get3A_405 = arith.constant 0 : index
    %get3A_406 = memref.load %arg1[%get3A_404, %get3A_405] : memref<32x16xf32, #tpu.memory_space<smem>>
    %mul3A_407 = arith.constant 1.200000e+02 : f32
    %mul3A_408 = arith.mulf %mul3A_407, %get3A_406 : f32
    %mul3A_409 = vector.broadcast %mul3A_408 : f32 to vector<128x128xf32>
    %mul3A_410 = arith.mulf %mul3A_409, %get3A_355 : vector<128x128xf32>
    %add3A_411 = arith.addf %sub3A_370, %mul3A_410 : vector<128x128xf32>
    %reduce_max3A_412 = arith.constant dense<0xFF800000> : vector<128xf32>
    %reduce_max3A_413 = vector.multi_reduction <maximumf>, %add3A_411, %reduce_max3A_412 [0] : vector<128x128xf32> to vector<128xf32>
    %broadcast_in_dim3A_414 = vector.shape_cast %reduce_max3A_413 : vector<128xf32> to vector<1x128xf32>
    %get3A_415 = arith.constant 28 : index
    %get3A_416 = arith.constant 0 : index
    %get3A_417 = memref.load %arg1[%get3A_415, %get3A_416] : memref<32x16xf32, #tpu.memory_space<smem>>
    %mul3A_418 = arith.constant 1.200000e+02 : f32
    %mul3A_419 = arith.mulf %mul3A_418, %get3A_417 : f32
    %mul3A_420 = vector.broadcast %mul3A_419 : f32 to vector<128x128xf32>
    %mul3A_421 = arith.mulf %mul3A_420, %get3A_355 : vector<128x128xf32>
    %add3A_422 = arith.addf %sub3A_370, %mul3A_421 : vector<128x128xf32>
    %reduce_max3A_423 = arith.constant dense<0xFF800000> : vector<128xf32>
    %reduce_max3A_424 = vector.multi_reduction <maximumf>, %add3A_422, %reduce_max3A_423 [0] : vector<128x128xf32> to vector<128xf32>
    %broadcast_in_dim3A_425 = vector.shape_cast %reduce_max3A_424 : vector<128xf32> to vector<1x128xf32>
    %get3A_426 = arith.constant 29 : index
    %get3A_427 = arith.constant 0 : index
    %get3A_428 = memref.load %arg1[%get3A_426, %get3A_427] : memref<32x16xf32, #tpu.memory_space<smem>>
    %mul3A_429 = arith.constant 1.200000e+02 : f32
    %mul3A_430 = arith.mulf %mul3A_429, %get3A_428 : f32
    %mul3A_431 = vector.broadcast %mul3A_430 : f32 to vector<128x128xf32>
    %mul3A_432 = arith.mulf %mul3A_431, %get3A_355 : vector<128x128xf32>
    %add3A_433 = arith.addf %sub3A_370, %mul3A_432 : vector<128x128xf32>
    %reduce_max3A_434 = arith.constant dense<0xFF800000> : vector<128xf32>
    %reduce_max3A_435 = vector.multi_reduction <maximumf>, %add3A_433, %reduce_max3A_434 [0] : vector<128x128xf32> to vector<128xf32>
    %broadcast_in_dim3A_436 = vector.shape_cast %reduce_max3A_435 : vector<128xf32> to vector<1x128xf32>
    %get3A_437 = arith.constant 30 : index
    %get3A_438 = arith.constant 0 : index
    %get3A_439 = memref.load %arg1[%get3A_437, %get3A_438] : memref<32x16xf32, #tpu.memory_space<smem>>
    %mul3A_440 = arith.constant 1.200000e+02 : f32
    %mul3A_441 = arith.mulf %mul3A_440, %get3A_439 : f32
    %mul3A_442 = vector.broadcast %mul3A_441 : f32 to vector<128x128xf32>
    %mul3A_443 = arith.mulf %mul3A_442, %get3A_355 : vector<128x128xf32>
    %add3A_444 = arith.addf %sub3A_370, %mul3A_443 : vector<128x128xf32>
    %reduce_max3A_445 = arith.constant dense<0xFF800000> : vector<128xf32>
    %reduce_max3A_446 = vector.multi_reduction <maximumf>, %add3A_444, %reduce_max3A_445 [0] : vector<128x128xf32> to vector<128xf32>
    %broadcast_in_dim3A_447 = vector.shape_cast %reduce_max3A_446 : vector<128xf32> to vector<1x128xf32>
    %get3A_448 = arith.constant 31 : index
    %get3A_449 = arith.constant 0 : index
    %get3A_450 = memref.load %arg1[%get3A_448, %get3A_449] : memref<32x16xf32, #tpu.memory_space<smem>>
    %mul3A_451 = arith.constant 1.200000e+02 : f32
    %mul3A_452 = arith.mulf %mul3A_451, %get3A_450 : f32
    %mul3A_453 = vector.broadcast %mul3A_452 : f32 to vector<128x128xf32>
    %mul3A_454 = arith.mulf %mul3A_453, %get3A_355 : vector<128x128xf32>
    %add3A_455 = arith.addf %sub3A_370, %mul3A_454 : vector<128x128xf32>
    %reduce_max3A_456 = arith.constant dense<0xFF800000> : vector<128xf32>
    %reduce_max3A_457 = vector.multi_reduction <maximumf>, %add3A_455, %reduce_max3A_456 [0] : vector<128x128xf32> to vector<128xf32>
    %broadcast_in_dim3A_458 = vector.shape_cast %reduce_max3A_457 : vector<128xf32> to vector<1x128xf32>
    %concatenate3A_459 = tpu.concatenate %broadcast_in_dim3A_381, %broadcast_in_dim3A_392, %broadcast_in_dim3A_403, %broadcast_in_dim3A_414, %broadcast_in_dim3A_425, %broadcast_in_dim3A_436, %broadcast_in_dim3A_447, %broadcast_in_dim3A_458 in 0 : vector<1x128xf32>, vector<1x128xf32>, vector<1x128xf32>, vector<1x128xf32>, vector<1x128xf32>, vector<1x128xf32>, vector<1x128xf32>, vector<1x128xf32> -> vector<8x128xf32>
    %transpose3A = tpu.transpose %concatenate3A, [1, 0] : vector<8x128xf32> -> vector<128x8xf32>
    %reduce_max3A_460 = arith.constant dense<0xFF800000> : vector<8xf32>
    %reduce_max3A_461 = vector.multi_reduction <maximumf>, %transpose3A, %reduce_max3A_460 [0] : vector<128x8xf32> to vector<8xf32>
    %broadcast_in_dim3A_462 = vector.shape_cast %reduce_max3A_461 : vector<8xf32> to vector<1x8xf32>
    %transpose3A_463 = tpu.transpose %broadcast_in_dim3A_462, [1, 0] : vector<1x8xf32> -> vector<8x1xf32>
    %sub3A_464 = vector.broadcast %transpose3A_463 : vector<8x1xf32> to vector<8x128xf32>
    %sub3A_465 = arith.subf %concatenate3A, %sub3A_464 : vector<8x128xf32>
    %exp3A = math.exp %sub3A_465 : vector<8x128xf32>
    %mul3A_466 = arith.mulf %exp3A, %convert_element_type3A_14 : vector<8x128xf32>
    %transpose3A_467 = tpu.transpose %concatenate3A_237, [1, 0] : vector<8x128xf32> -> vector<128x8xf32>
    %reduce_max3A_468 = arith.constant dense<0xFF800000> : vector<8xf32>
    %reduce_max3A_469 = vector.multi_reduction <maximumf>, %transpose3A_467, %reduce_max3A_468 [0] : vector<128x8xf32> to vector<8xf32>
    %broadcast_in_dim3A_470 = vector.shape_cast %reduce_max3A_469 : vector<8xf32> to vector<1x8xf32>
    %transpose3A_471 = tpu.transpose %broadcast_in_dim3A_470, [1, 0] : vector<1x8xf32> -> vector<8x1xf32>
    %sub3A_472 = vector.broadcast %transpose3A_471 : vector<8x1xf32> to vector<8x128xf32>
    %sub3A_473 = arith.subf %concatenate3A_237, %sub3A_472 : vector<8x128xf32>
    %exp3A_474 = math.exp %sub3A_473 : vector<8x128xf32>
    %mul3A_475 = arith.mulf %exp3A_474, %convert_element_type3A_14 : vector<8x128xf32>
    %transpose3A_476 = tpu.transpose %concatenate3A_348, [1, 0] : vector<8x128xf32> -> vector<128x8xf32>
    %reduce_max3A_477 = arith.constant dense<0xFF800000> : vector<8xf32>
    %reduce_max3A_478 = vector.multi_reduction <maximumf>, %transpose3A_476, %reduce_max3A_477 [0] : vector<128x8xf32> to vector<8xf32>
    %broadcast_in_dim3A_479 = vector.shape_cast %reduce_max3A_478 : vector<8xf32> to vector<1x8xf32>
    %transpose3A_480 = tpu.transpose %broadcast_in_dim3A_479, [1, 0] : vector<1x8xf32> -> vector<8x1xf32>
    %sub3A_481 = vector.broadcast %transpose3A_480 : vector<8x1xf32> to vector<8x128xf32>
    %sub3A_482 = arith.subf %concatenate3A_348, %sub3A_481 : vector<8x128xf32>
    %exp3A_483 = math.exp %sub3A_482 : vector<8x128xf32>
    %mul3A_484 = arith.mulf %exp3A_483, %convert_element_type3A_14 : vector<8x128xf32>
    %transpose3A_485 = tpu.transpose %concatenate3A_459, [1, 0] : vector<8x128xf32> -> vector<128x8xf32>
    %reduce_max3A_486 = arith.constant dense<0xFF800000> : vector<8xf32>
    %reduce_max3A_487 = vector.multi_reduction <maximumf>, %transpose3A_485, %reduce_max3A_486 [0] : vector<128x8xf32> to vector<8xf32>
    %broadcast_in_dim3A_488 = vector.shape_cast %reduce_max3A_487 : vector<8xf32> to vector<1x8xf32>
    %transpose3A_489 = tpu.transpose %broadcast_in_dim3A_488, [1, 0] : vector<1x8xf32> -> vector<8x1xf32>
    %sub3A_490 = vector.broadcast %transpose3A_489 : vector<8x1xf32> to vector<8x128xf32>
    %sub3A_491 = arith.subf %concatenate3A_459, %sub3A_490 : vector<8x128xf32>
    %exp3A_492 = math.exp %sub3A_491 : vector<8x128xf32>
    %mul3A_493 = arith.mulf %exp3A_492, %convert_element_type3A_14 : vector<8x128xf32>
    %get3A_494 = arith.constant 0 : index
    %get3A_495 = arith.constant 0 : index
    %get3A_496 = arith.constant 0 : index
    %get3A_497 = arith.constant 0 : index
    %get3A_498 = arith.constant 0 : index
    %get3A_499 = vector.load %arg4[%get3A_494, %get3A_495, %get3A_496, %get3A_497, %get3A_498] : memref<2x2x1x128x128xf32, #tpu.memory_space<vmem>>, vector<1x1x1x128x128xf32>
    %get3A_500 = vector.shape_cast %get3A_499 : vector<1x1x1x128x128xf32> to vector<128x128xf32>
    %get3A_501 = arith.constant 0 : index
    %get3A_502 = arith.constant 0 : index
    %get3A_503 = arith.constant 0 : index
    %get3A_504 = arith.constant 0 : index
    %get3A_505 = arith.constant 0 : index
    %get3A_506 = vector.load %arg3[%get3A_501, %get3A_502, %get3A_503, %get3A_504, %get3A_505] : memref<2x2x1x128x128xf32, #tpu.memory_space<vmem>>, vector<1x1x1x128x128xf32>
    %get3A_507 = vector.shape_cast %get3A_506 : vector<1x1x1x128x128xf32> to vector<128x128xf32>
    %mul3A_508 = arith.constant 3.000000e+01 : f32
    %mul3A_509 = vector.broadcast %mul3A_508 : f32 to vector<128x128xf32>
    %mul3A_510 = arith.mulf %mul3A_509, %get3A_507 : vector<128x128xf32>
    %mul3A_511 = arith.mulf %get3A_500, %get3A_500 : vector<128x128xf32>
    %mul3A_512 = arith.constant 6.000000e+01 : f32
    %mul3A_513 = vector.broadcast %mul3A_512 : f32 to vector<128x128xf32>
    %mul3A_514 = arith.mulf %mul3A_513, %mul3A_511 : vector<128x128xf32>
    %sub3A_515 = arith.subf %mul3A_510, %mul3A_514 : vector<128x128xf32>
    %get3A_516 = arith.constant 0 : index
    %get3A_517 = arith.constant 0 : index
    %get3A_518 = memref.load %arg1[%get3A_516, %get3A_517] : memref<32x16xf32, #tpu.memory_space<smem>>
    %mul3A_519 = arith.constant 1.200000e+02 : f32
    %mul3A_520 = arith.mulf %mul3A_519, %get3A_518 : f32
    %mul3A_521 = vector.broadcast %mul3A_520 : f32 to vector<128x128xf32>
    %mul3A_522 = arith.mulf %mul3A_521, %get3A_500 : vector<128x128xf32>
    %add3A_523 = arith.addf %sub3A_515, %mul3A_522 : vector<128x128xf32>
    %slice3A = vector.extract_strided_slice %concatenate3A {offsets = [0, 0], sizes = [1, 128], strides = [1, 1]} : vector<8x128xf32> to vector<1x128xf32>
    %sub3A_524 = vector.broadcast %slice3A : vector<1x128xf32> to vector<128x128xf32>
    %sub3A_525 = arith.subf %add3A_523, %sub3A_524 : vector<128x128xf32>
    %exp3A_526 = math.exp %sub3A_525 : vector<128x128xf32>
    %dot_general3A = arith.constant dense<0.000000e+00> : vector<8x128xf32>
    %dot_general3A_527 = tpu.matmul %select_n3A_12, %exp3A_526, %dot_general3A {dimension_numbers = #tpu.dot_dimension_numbers<[1], [0], [0], [1], [0, 0, 1, 1], [], []>, transpose_lhs_hint = false} : vector<8x128xf32>, vector<128x128xf32>, vector<8x128xf32> -> vector<8x128xf32>
    %slice3A_528 = vector.extract_strided_slice %dot_general3A_527 {offsets = [0, 0], sizes = [1, 128], strides = [1, 1]} : vector<8x128xf32> to vector<1x128xf32>
    %slice3A_529 = vector.extract_strided_slice %exp3A {offsets = [0, 0], sizes = [1, 128], strides = [1, 1]} : vector<8x128xf32> to vector<1x128xf32>
    %mul3A_530 = arith.mulf %slice3A_528, %slice3A_529 : vector<1x128xf32>
    %slice3A_531 = vector.extract_strided_slice %dot_general3A_527 {offsets = [1, 0], sizes = [1, 128], strides = [1, 1]} : vector<8x128xf32> to vector<1x128xf32>
    %slice3A_532 = vector.extract_strided_slice %exp3A {offsets = [0, 0], sizes = [1, 128], strides = [1, 1]} : vector<8x128xf32> to vector<1x128xf32>
    %mul3A_533 = arith.mulf %slice3A_531, %slice3A_532 : vector<1x128xf32>
    %slice3A_534 = vector.extract_strided_slice %dot_general3A_527 {offsets = [0, 0], sizes = [1, 128], strides = [1, 1]} : vector<8x128xf32> to vector<1x128xf32>
    %slice3A_535 = vector.extract_strided_slice %mul3A_466 {offsets = [0, 0], sizes = [1, 128], strides = [1, 1]} : vector<8x128xf32> to vector<1x128xf32>
    %mul3A_536 = arith.mulf %slice3A_534, %slice3A_535 : vector<1x128xf32>
    %get3A_537 = arith.constant 1 : index
    %get3A_538 = arith.constant 0 : index
    %get3A_539 = memref.load %arg1[%get3A_537, %get3A_538] : memref<32x16xf32, #tpu.memory_space<smem>>
    %mul3A_540 = arith.constant 1.200000e+02 : f32
    %mul3A_541 = arith.mulf %mul3A_540, %get3A_539 : f32
    %mul3A_542 = vector.broadcast %mul3A_541 : f32 to vector<128x128xf32>
    %mul3A_543 = arith.mulf %mul3A_542, %get3A_500 : vector<128x128xf32>
    %add3A_544 = arith.addf %sub3A_515, %mul3A_543 : vector<128x128xf32>
    %slice3A_545 = vector.extract_strided_slice %concatenate3A {offsets = [1, 0], sizes = [1, 128], strides = [1, 1]} : vector<8x128xf32> to vector<1x128xf32>
    %sub3A_546 = vector.broadcast %slice3A_545 : vector<1x128xf32> to vector<128x128xf32>
    %sub3A_547 = arith.subf %add3A_544, %sub3A_546 : vector<128x128xf32>
    %exp3A_548 = math.exp %sub3A_547 : vector<128x128xf32>
    %dot_general3A_549 = arith.constant dense<0.000000e+00> : vector<8x128xf32>
    %dot_general3A_550 = tpu.matmul %select_n3A_12, %exp3A_548, %dot_general3A_549 {dimension_numbers = #tpu.dot_dimension_numbers<[1], [0], [0], [1], [0, 0, 1, 1], [], []>, transpose_lhs_hint = false} : vector<8x128xf32>, vector<128x128xf32>, vector<8x128xf32> -> vector<8x128xf32>
    %slice3A_551 = vector.extract_strided_slice %dot_general3A_550 {offsets = [0, 0], sizes = [1, 128], strides = [1, 1]} : vector<8x128xf32> to vector<1x128xf32>
    %slice3A_552 = vector.extract_strided_slice %exp3A {offsets = [1, 0], sizes = [1, 128], strides = [1, 1]} : vector<8x128xf32> to vector<1x128xf32>
    %mul3A_553 = arith.mulf %slice3A_551, %slice3A_552 : vector<1x128xf32>
    %slice3A_554 = vector.extract_strided_slice %dot_general3A_550 {offsets = [1, 0], sizes = [1, 128], strides = [1, 1]} : vector<8x128xf32> to vector<1x128xf32>
    %slice3A_555 = vector.extract_strided_slice %exp3A {offsets = [1, 0], sizes = [1, 128], strides = [1, 1]} : vector<8x128xf32> to vector<1x128xf32>
    %mul3A_556 = arith.mulf %slice3A_554, %slice3A_555 : vector<1x128xf32>
    %slice3A_557 = vector.extract_strided_slice %dot_general3A_550 {offsets = [0, 0], sizes = [1, 128], strides = [1, 1]} : vector<8x128xf32> to vector<1x128xf32>
    %slice3A_558 = vector.extract_strided_slice %mul3A_466 {offsets = [1, 0], sizes = [1, 128], strides = [1, 1]} : vector<8x128xf32> to vector<1x128xf32>
    %mul3A_559 = arith.mulf %slice3A_557, %slice3A_558 : vector<1x128xf32>
    %get3A_560 = arith.constant 2 : index
    %get3A_561 = arith.constant 0 : index
    %get3A_562 = memref.load %arg1[%get3A_560, %get3A_561] : memref<32x16xf32, #tpu.memory_space<smem>>
    %mul3A_563 = arith.constant 1.200000e+02 : f32
    %mul3A_564 = arith.mulf %mul3A_563, %get3A_562 : f32
    %mul3A_565 = vector.broadcast %mul3A_564 : f32 to vector<128x128xf32>
    %mul3A_566 = arith.mulf %mul3A_565, %get3A_500 : vector<128x128xf32>
    %add3A_567 = arith.addf %sub3A_515, %mul3A_566 : vector<128x128xf32>
    %slice3A_568 = vector.extract_strided_slice %concatenate3A {offsets = [2, 0], sizes = [1, 128], strides = [1, 1]} : vector<8x128xf32> to vector<1x128xf32>
    %sub3A_569 = vector.broadcast %slice3A_568 : vector<1x128xf32> to vector<128x128xf32>
    %sub3A_570 = arith.subf %add3A_567, %sub3A_569 : vector<128x128xf32>
    %exp3A_571 = math.exp %sub3A_570 : vector<128x128xf32>
    %dot_general3A_572 = arith.constant dense<0.000000e+00> : vector<8x128xf32>
    %dot_general3A_573 = tpu.matmul %select_n3A_12, %exp3A_571, %dot_general3A_572 {dimension_numbers = #tpu.dot_dimension_numbers<[1], [0], [0], [1], [0, 0, 1, 1], [], []>, transpose_lhs_hint = false} : vector<8x128xf32>, vector<128x128xf32>, vector<8x128xf32> -> vector<8x128xf32>
    %slice3A_574 = vector.extract_strided_slice %dot_general3A_573 {offsets = [0, 0], sizes = [1, 128], strides = [1, 1]} : vector<8x128xf32> to vector<1x128xf32>
    %slice3A_575 = vector.extract_strided_slice %exp3A {offsets = [2, 0], sizes = [1, 128], strides = [1, 1]} : vector<8x128xf32> to vector<1x128xf32>
    %mul3A_576 = arith.mulf %slice3A_574, %slice3A_575 : vector<1x128xf32>
    %slice3A_577 = vector.extract_strided_slice %dot_general3A_573 {offsets = [1, 0], sizes = [1, 128], strides = [1, 1]} : vector<8x128xf32> to vector<1x128xf32>
    %slice3A_578 = vector.extract_strided_slice %exp3A {offsets = [2, 0], sizes = [1, 128], strides = [1, 1]} : vector<8x128xf32> to vector<1x128xf32>
    %mul3A_579 = arith.mulf %slice3A_577, %slice3A_578 : vector<1x128xf32>
    %slice3A_580 = vector.extract_strided_slice %dot_general3A_573 {offsets = [0, 0], sizes = [1, 128], strides = [1, 1]} : vector<8x128xf32> to vector<1x128xf32>
    %slice3A_581 = vector.extract_strided_slice %mul3A_466 {offsets = [2, 0], sizes = [1, 128], strides = [1, 1]} : vector<8x128xf32> to vector<1x128xf32>
    %mul3A_582 = arith.mulf %slice3A_580, %slice3A_581 : vector<1x128xf32>
    %get3A_583 = arith.constant 3 : index
    %get3A_584 = arith.constant 0 : index
    %get3A_585 = memref.load %arg1[%get3A_583, %get3A_584] : memref<32x16xf32, #tpu.memory_space<smem>>
    %mul3A_586 = arith.constant 1.200000e+02 : f32
    %mul3A_587 = arith.mulf %mul3A_586, %get3A_585 : f32
    %mul3A_588 = vector.broadcast %mul3A_587 : f32 to vector<128x128xf32>
    %mul3A_589 = arith.mulf %mul3A_588, %get3A_500 : vector<128x128xf32>
    %add3A_590 = arith.addf %sub3A_515, %mul3A_589 : vector<128x128xf32>
    %slice3A_591 = vector.extract_strided_slice %concatenate3A {offsets = [3, 0], sizes = [1, 128], strides = [1, 1]} : vector<8x128xf32> to vector<1x128xf32>
    %sub3A_592 = vector.broadcast %slice3A_591 : vector<1x128xf32> to vector<128x128xf32>
    %sub3A_593 = arith.subf %add3A_590, %sub3A_592 : vector<128x128xf32>
    %exp3A_594 = math.exp %sub3A_593 : vector<128x128xf32>
    %dot_general3A_595 = arith.constant dense<0.000000e+00> : vector<8x128xf32>
    %dot_general3A_596 = tpu.matmul %select_n3A_12, %exp3A_594, %dot_general3A_595 {dimension_numbers = #tpu.dot_dimension_numbers<[1], [0], [0], [1], [0, 0, 1, 1], [], []>, transpose_lhs_hint = false} : vector<8x128xf32>, vector<128x128xf32>, vector<8x128xf32> -> vector<8x128xf32>
    %slice3A_597 = vector.extract_strided_slice %dot_general3A_596 {offsets = [0, 0], sizes = [1, 128], strides = [1, 1]} : vector<8x128xf32> to vector<1x128xf32>
    %slice3A_598 = vector.extract_strided_slice %exp3A {offsets = [3, 0], sizes = [1, 128], strides = [1, 1]} : vector<8x128xf32> to vector<1x128xf32>
    %mul3A_599 = arith.mulf %slice3A_597, %slice3A_598 : vector<1x128xf32>
    %slice3A_600 = vector.extract_strided_slice %dot_general3A_596 {offsets = [1, 0], sizes = [1, 128], strides = [1, 1]} : vector<8x128xf32> to vector<1x128xf32>
    %slice3A_601 = vector.extract_strided_slice %exp3A {offsets = [3, 0], sizes = [1, 128], strides = [1, 1]} : vector<8x128xf32> to vector<1x128xf32>
    %mul3A_602 = arith.mulf %slice3A_600, %slice3A_601 : vector<1x128xf32>
    %slice3A_603 = vector.extract_strided_slice %dot_general3A_596 {offsets = [0, 0], sizes = [1, 128], strides = [1, 1]} : vector<8x128xf32> to vector<1x128xf32>
    %slice3A_604 = vector.extract_strided_slice %mul3A_466 {offsets = [3, 0], sizes = [1, 128], strides = [1, 1]} : vector<8x128xf32> to vector<1x128xf32>
    %mul3A_605 = arith.mulf %slice3A_603, %slice3A_604 : vector<1x128xf32>
    %get3A_606 = arith.constant 4 : index
    %get3A_607 = arith.constant 0 : index
    %get3A_608 = memref.load %arg1[%get3A_606, %get3A_607] : memref<32x16xf32, #tpu.memory_space<smem>>
    %mul3A_609 = arith.constant 1.200000e+02 : f32
    %mul3A_610 = arith.mulf %mul3A_609, %get3A_608 : f32
    %mul3A_611 = vector.broadcast %mul3A_610 : f32 to vector<128x128xf32>
    %mul3A_612 = arith.mulf %mul3A_611, %get3A_500 : vector<128x128xf32>
    %add3A_613 = arith.addf %sub3A_515, %mul3A_612 : vector<128x128xf32>
    %slice3A_614 = vector.extract_strided_slice %concatenate3A {offsets = [4, 0], sizes = [1, 128], strides = [1, 1]} : vector<8x128xf32> to vector<1x128xf32>
    %sub3A_615 = vector.broadcast %slice3A_614 : vector<1x128xf32> to vector<128x128xf32>
    %sub3A_616 = arith.subf %add3A_613, %sub3A_615 : vector<128x128xf32>
    %exp3A_617 = math.exp %sub3A_616 : vector<128x128xf32>
    %dot_general3A_618 = arith.constant dense<0.000000e+00> : vector<8x128xf32>
    %dot_general3A_619 = tpu.matmul %select_n3A_12, %exp3A_617, %dot_general3A_618 {dimension_numbers = #tpu.dot_dimension_numbers<[1], [0], [0], [1], [0, 0, 1, 1], [], []>, transpose_lhs_hint = false} : vector<8x128xf32>, vector<128x128xf32>, vector<8x128xf32> -> vector<8x128xf32>
    %slice3A_620 = vector.extract_strided_slice %dot_general3A_619 {offsets = [0, 0], sizes = [1, 128], strides = [1, 1]} : vector<8x128xf32> to vector<1x128xf32>
    %slice3A_621 = vector.extract_strided_slice %exp3A {offsets = [4, 0], sizes = [1, 128], strides = [1, 1]} : vector<8x128xf32> to vector<1x128xf32>
    %mul3A_622 = arith.mulf %slice3A_620, %slice3A_621 : vector<1x128xf32>
    %slice3A_623 = vector.extract_strided_slice %dot_general3A_619 {offsets = [1, 0], sizes = [1, 128], strides = [1, 1]} : vector<8x128xf32> to vector<1x128xf32>
    %slice3A_624 = vector.extract_strided_slice %exp3A {offsets = [4, 0], sizes = [1, 128], strides = [1, 1]} : vector<8x128xf32> to vector<1x128xf32>
    %mul3A_625 = arith.mulf %slice3A_623, %slice3A_624 : vector<1x128xf32>
    %slice3A_626 = vector.extract_strided_slice %dot_general3A_619 {offsets = [0, 0], sizes = [1, 128], strides = [1, 1]} : vector<8x128xf32> to vector<1x128xf32>
    %slice3A_627 = vector.extract_strided_slice %mul3A_466 {offsets = [4, 0], sizes = [1, 128], strides = [1, 1]} : vector<8x128xf32> to vector<1x128xf32>
    %mul3A_628 = arith.mulf %slice3A_626, %slice3A_627 : vector<1x128xf32>
    %get3A_629 = arith.constant 5 : index
    %get3A_630 = arith.constant 0 : index
    %get3A_631 = memref.load %arg1[%get3A_629, %get3A_630] : memref<32x16xf32, #tpu.memory_space<smem>>
    %mul3A_632 = arith.constant 1.200000e+02 : f32
    %mul3A_633 = arith.mulf %mul3A_632, %get3A_631 : f32
    %mul3A_634 = vector.broadcast %mul3A_633 : f32 to vector<128x128xf32>
    %mul3A_635 = arith.mulf %mul3A_634, %get3A_500 : vector<128x128xf32>
    %add3A_636 = arith.addf %sub3A_515, %mul3A_635 : vector<128x128xf32>
    %slice3A_637 = vector.extract_strided_slice %concatenate3A {offsets = [5, 0], sizes = [1, 128], strides = [1, 1]} : vector<8x128xf32> to vector<1x128xf32>
    %sub3A_638 = vector.broadcast %slice3A_637 : vector<1x128xf32> to vector<128x128xf32>
    %sub3A_639 = arith.subf %add3A_636, %sub3A_638 : vector<128x128xf32>
    %exp3A_640 = math.exp %sub3A_639 : vector<128x128xf32>
    %dot_general3A_641 = arith.constant dense<0.000000e+00> : vector<8x128xf32>
    %dot_general3A_642 = tpu.matmul %select_n3A_12, %exp3A_640, %dot_general3A_641 {dimension_numbers = #tpu.dot_dimension_numbers<[1], [0], [0], [1], [0, 0, 1, 1], [], []>, transpose_lhs_hint = false} : vector<8x128xf32>, vector<128x128xf32>, vector<8x128xf32> -> vector<8x128xf32>
    %slice3A_643 = vector.extract_strided_slice %dot_general3A_642 {offsets = [0, 0], sizes = [1, 128], strides = [1, 1]} : vector<8x128xf32> to vector<1x128xf32>
    %slice3A_644 = vector.extract_strided_slice %exp3A {offsets = [5, 0], sizes = [1, 128], strides = [1, 1]} : vector<8x128xf32> to vector<1x128xf32>
    %mul3A_645 = arith.mulf %slice3A_643, %slice3A_644 : vector<1x128xf32>
    %slice3A_646 = vector.extract_strided_slice %dot_general3A_642 {offsets = [1, 0], sizes = [1, 128], strides = [1, 1]} : vector<8x128xf32> to vector<1x128xf32>
    %slice3A_647 = vector.extract_strided_slice %exp3A {offsets = [5, 0], sizes = [1, 128], strides = [1, 1]} : vector<8x128xf32> to vector<1x128xf32>
    %mul3A_648 = arith.mulf %slice3A_646, %slice3A_647 : vector<1x128xf32>
    %slice3A_649 = vector.extract_strided_slice %dot_general3A_642 {offsets = [0, 0], sizes = [1, 128], strides = [1, 1]} : vector<8x128xf32> to vector<1x128xf32>
    %slice3A_650 = vector.extract_strided_slice %mul3A_466 {offsets = [5, 0], sizes = [1, 128], strides = [1, 1]} : vector<8x128xf32> to vector<1x128xf32>
    %mul3A_651 = arith.mulf %slice3A_649, %slice3A_650 : vector<1x128xf32>
    %get3A_652 = arith.constant 6 : index
    %get3A_653 = arith.constant 0 : index
    %get3A_654 = memref.load %arg1[%get3A_652, %get3A_653] : memref<32x16xf32, #tpu.memory_space<smem>>
    %mul3A_655 = arith.constant 1.200000e+02 : f32
    %mul3A_656 = arith.mulf %mul3A_655, %get3A_654 : f32
    %mul3A_657 = vector.broadcast %mul3A_656 : f32 to vector<128x128xf32>
    %mul3A_658 = arith.mulf %mul3A_657, %get3A_500 : vector<128x128xf32>
    %add3A_659 = arith.addf %sub3A_515, %mul3A_658 : vector<128x128xf32>
    %slice3A_660 = vector.extract_strided_slice %concatenate3A {offsets = [6, 0], sizes = [1, 128], strides = [1, 1]} : vector<8x128xf32> to vector<1x128xf32>
    %sub3A_661 = vector.broadcast %slice3A_660 : vector<1x128xf32> to vector<128x128xf32>
    %sub3A_662 = arith.subf %add3A_659, %sub3A_661 : vector<128x128xf32>
    %exp3A_663 = math.exp %sub3A_662 : vector<128x128xf32>
    %dot_general3A_664 = arith.constant dense<0.000000e+00> : vector<8x128xf32>
    %dot_general3A_665 = tpu.matmul %select_n3A_12, %exp3A_663, %dot_general3A_664 {dimension_numbers = #tpu.dot_dimension_numbers<[1], [0], [0], [1], [0, 0, 1, 1], [], []>, transpose_lhs_hint = false} : vector<8x128xf32>, vector<128x128xf32>, vector<8x128xf32> -> vector<8x128xf32>
    %slice3A_666 = vector.extract_strided_slice %dot_general3A_665 {offsets = [0, 0], sizes = [1, 128], strides = [1, 1]} : vector<8x128xf32> to vector<1x128xf32>
    %slice3A_667 = vector.extract_strided_slice %exp3A {offsets = [6, 0], sizes = [1, 128], strides = [1, 1]} : vector<8x128xf32> to vector<1x128xf32>
    %mul3A_668 = arith.mulf %slice3A_666, %slice3A_667 : vector<1x128xf32>
    %slice3A_669 = vector.extract_strided_slice %dot_general3A_665 {offsets = [1, 0], sizes = [1, 128], strides = [1, 1]} : vector<8x128xf32> to vector<1x128xf32>
    %slice3A_670 = vector.extract_strided_slice %exp3A {offsets = [6, 0], sizes = [1, 128], strides = [1, 1]} : vector<8x128xf32> to vector<1x128xf32>
    %mul3A_671 = arith.mulf %slice3A_669, %slice3A_670 : vector<1x128xf32>
    %slice3A_672 = vector.extract_strided_slice %dot_general3A_665 {offsets = [0, 0], sizes = [1, 128], strides = [1, 1]} : vector<8x128xf32> to vector<1x128xf32>
    %slice3A_673 = vector.extract_strided_slice %mul3A_466 {offsets = [6, 0], sizes = [1, 128], strides = [1, 1]} : vector<8x128xf32> to vector<1x128xf32>
    %mul3A_674 = arith.mulf %slice3A_672, %slice3A_673 : vector<1x128xf32>
    %get3A_675 = arith.constant 7 : index
    %get3A_676 = arith.constant 0 : index
    %get3A_677 = memref.load %arg1[%get3A_675, %get3A_676] : memref<32x16xf32, #tpu.memory_space<smem>>
    %mul3A_678 = arith.constant 1.200000e+02 : f32
    %mul3A_679 = arith.mulf %mul3A_678, %get3A_677 : f32
    %mul3A_680 = vector.broadcast %mul3A_679 : f32 to vector<128x128xf32>
    %mul3A_681 = arith.mulf %mul3A_680, %get3A_500 : vector<128x128xf32>
    %add3A_682 = arith.addf %sub3A_515, %mul3A_681 : vector<128x128xf32>
    %slice3A_683 = vector.extract_strided_slice %concatenate3A {offsets = [7, 0], sizes = [1, 128], strides = [1, 1]} : vector<8x128xf32> to vector<1x128xf32>
    %sub3A_684 = vector.broadcast %slice3A_683 : vector<1x128xf32> to vector<128x128xf32>
    %sub3A_685 = arith.subf %add3A_682, %sub3A_684 : vector<128x128xf32>
    %exp3A_686 = math.exp %sub3A_685 : vector<128x128xf32>
    %dot_general3A_687 = arith.constant dense<0.000000e+00> : vector<8x128xf32>
    %dot_general3A_688 = tpu.matmul %select_n3A_12, %exp3A_686, %dot_general3A_687 {dimension_numbers = #tpu.dot_dimension_numbers<[1], [0], [0], [1], [0, 0, 1, 1], [], []>, transpose_lhs_hint = false} : vector<8x128xf32>, vector<128x128xf32>, vector<8x128xf32> -> vector<8x128xf32>
    %slice3A_689 = vector.extract_strided_slice %dot_general3A_688 {offsets = [0, 0], sizes = [1, 128], strides = [1, 1]} : vector<8x128xf32> to vector<1x128xf32>
    %slice3A_690 = vector.extract_strided_slice %exp3A {offsets = [7, 0], sizes = [1, 128], strides = [1, 1]} : vector<8x128xf32> to vector<1x128xf32>
    %mul3A_691 = arith.mulf %slice3A_689, %slice3A_690 : vector<1x128xf32>
    %slice3A_692 = vector.extract_strided_slice %dot_general3A_688 {offsets = [1, 0], sizes = [1, 128], strides = [1, 1]} : vector<8x128xf32> to vector<1x128xf32>
    %slice3A_693 = vector.extract_strided_slice %exp3A {offsets = [7, 0], sizes = [1, 128], strides = [1, 1]} : vector<8x128xf32> to vector<1x128xf32>
    %mul3A_694 = arith.mulf %slice3A_692, %slice3A_693 : vector<1x128xf32>
    %slice3A_695 = vector.extract_strided_slice %dot_general3A_688 {offsets = [0, 0], sizes = [1, 128], strides = [1, 1]} : vector<8x128xf32> to vector<1x128xf32>
    %slice3A_696 = vector.extract_strided_slice %mul3A_466 {offsets = [7, 0], sizes = [1, 128], strides = [1, 1]} : vector<8x128xf32> to vector<1x128xf32>
    %mul3A_697 = arith.mulf %slice3A_695, %slice3A_696 : vector<1x128xf32>
    %concatenate3A_698 = tpu.concatenate %mul3A_530, %mul3A_553, %mul3A_576, %mul3A_599, %mul3A_622, %mul3A_645, %mul3A_668, %mul3A_691, %mul3A_533, %mul3A_556, %mul3A_579, %mul3A_602, %mul3A_625, %mul3A_648, %mul3A_671, %mul3A_694, %mul3A_536, %mul3A_559, %mul3A_582, %mul3A_605, %mul3A_628, %mul3A_651, %mul3A_674, %mul3A_697 in 0 : vector<1x128xf32>, vector<1x128xf32>, vector<1x128xf32>, vector<1x128xf32>, vector<1x128xf32>, vector<1x128xf32>, vector<1x128xf32>, vector<1x128xf32>, vector<1x128xf32>, vector<1x128xf32>, vector<1x128xf32>, vector<1x128xf32>, vector<1x128xf32>, vector<1x128xf32>, vector<1x128xf32>, vector<1x128xf32>, vector<1x128xf32>, vector<1x128xf32>, vector<1x128xf32>, vector<1x128xf32>, vector<1x128xf32>, vector<1x128xf32>, vector<1x128xf32>, vector<1x128xf32> -> vector<24x128xf32>
    %get3A_699 = arith.constant 0 : index
    %get3A_700 = arith.constant 1 : index
    %get3A_701 = arith.constant 0 : index
    %get3A_702 = arith.constant 0 : index
    %get3A_703 = arith.constant 0 : index
    %get3A_704 = vector.load %arg4[%get3A_699, %get3A_700, %get3A_701, %get3A_702, %get3A_703] : memref<2x2x1x128x128xf32, #tpu.memory_space<vmem>>, vector<1x1x1x128x128xf32>
    %get3A_705 = vector.shape_cast %get3A_704 : vector<1x1x1x128x128xf32> to vector<128x128xf32>
    %get3A_706 = arith.constant 0 : index
    %get3A_707 = arith.constant 1 : index
    %get3A_708 = arith.constant 0 : index
    %get3A_709 = arith.constant 0 : index
    %get3A_710 = arith.constant 0 : index
    %get3A_711 = vector.load %arg3[%get3A_706, %get3A_707, %get3A_708, %get3A_709, %get3A_710] : memref<2x2x1x128x128xf32, #tpu.memory_space<vmem>>, vector<1x1x1x128x128xf32>
    %get3A_712 = vector.shape_cast %get3A_711 : vector<1x1x1x128x128xf32> to vector<128x128xf32>
    %mul3A_713 = arith.constant 3.000000e+01 : f32
    %mul3A_714 = vector.broadcast %mul3A_713 : f32 to vector<128x128xf32>
    %mul3A_715 = arith.mulf %mul3A_714, %get3A_712 : vector<128x128xf32>
    %mul3A_716 = arith.mulf %get3A_705, %get3A_705 : vector<128x128xf32>
    %mul3A_717 = arith.constant 6.000000e+01 : f32
    %mul3A_718 = vector.broadcast %mul3A_717 : f32 to vector<128x128xf32>
    %mul3A_719 = arith.mulf %mul3A_718, %mul3A_716 : vector<128x128xf32>
    %sub3A_720 = arith.subf %mul3A_715, %mul3A_719 : vector<128x128xf32>
    %get3A_721 = arith.constant 8 : index
    %get3A_722 = arith.constant 0 : index
    %get3A_723 = memref.load %arg1[%get3A_721, %get3A_722] : memref<32x16xf32, #tpu.memory_space<smem>>
    %mul3A_724 = arith.constant 1.200000e+02 : f32
    %mul3A_725 = arith.mulf %mul3A_724, %get3A_723 : f32
    %mul3A_726 = vector.broadcast %mul3A_725 : f32 to vector<128x128xf32>
    %mul3A_727 = arith.mulf %mul3A_726, %get3A_705 : vector<128x128xf32>
    %add3A_728 = arith.addf %sub3A_720, %mul3A_727 : vector<128x128xf32>
    %slice3A_729 = vector.extract_strided_slice %concatenate3A_237 {offsets = [0, 0], sizes = [1, 128], strides = [1, 1]} : vector<8x128xf32> to vector<1x128xf32>
    %sub3A_730 = vector.broadcast %slice3A_729 : vector<1x128xf32> to vector<128x128xf32>
    %sub3A_731 = arith.subf %add3A_728, %sub3A_730 : vector<128x128xf32>
    %exp3A_732 = math.exp %sub3A_731 : vector<128x128xf32>
    %dot_general3A_733 = arith.constant dense<0.000000e+00> : vector<8x128xf32>
    %dot_general3A_734 = tpu.matmul %select_n3A_12, %exp3A_732, %dot_general3A_733 {dimension_numbers = #tpu.dot_dimension_numbers<[1], [0], [0], [1], [0, 0, 1, 1], [], []>, transpose_lhs_hint = false} : vector<8x128xf32>, vector<128x128xf32>, vector<8x128xf32> -> vector<8x128xf32>
    %slice3A_735 = vector.extract_strided_slice %dot_general3A_734 {offsets = [0, 0], sizes = [1, 128], strides = [1, 1]} : vector<8x128xf32> to vector<1x128xf32>
    %slice3A_736 = vector.extract_strided_slice %exp3A_474 {offsets = [0, 0], sizes = [1, 128], strides = [1, 1]} : vector<8x128xf32> to vector<1x128xf32>
    %mul3A_737 = arith.mulf %slice3A_735, %slice3A_736 : vector<1x128xf32>
    %slice3A_738 = vector.extract_strided_slice %dot_general3A_734 {offsets = [1, 0], sizes = [1, 128], strides = [1, 1]} : vector<8x128xf32> to vector<1x128xf32>
    %slice3A_739 = vector.extract_strided_slice %exp3A_474 {offsets = [0, 0], sizes = [1, 128], strides = [1, 1]} : vector<8x128xf32> to vector<1x128xf32>
    %mul3A_740 = arith.mulf %slice3A_738, %slice3A_739 : vector<1x128xf32>
    %slice3A_741 = vector.extract_strided_slice %dot_general3A_734 {offsets = [0, 0], sizes = [1, 128], strides = [1, 1]} : vector<8x128xf32> to vector<1x128xf32>
    %slice3A_742 = vector.extract_strided_slice %mul3A_475 {offsets = [0, 0], sizes = [1, 128], strides = [1, 1]} : vector<8x128xf32> to vector<1x128xf32>
    %mul3A_743 = arith.mulf %slice3A_741, %slice3A_742 : vector<1x128xf32>
    %get3A_744 = arith.constant 9 : index
    %get3A_745 = arith.constant 0 : index
    %get3A_746 = memref.load %arg1[%get3A_744, %get3A_745] : memref<32x16xf32, #tpu.memory_space<smem>>
    %mul3A_747 = arith.constant 1.200000e+02 : f32
    %mul3A_748 = arith.mulf %mul3A_747, %get3A_746 : f32
    %mul3A_749 = vector.broadcast %mul3A_748 : f32 to vector<128x128xf32>
    %mul3A_750 = arith.mulf %mul3A_749, %get3A_705 : vector<128x128xf32>
    %add3A_751 = arith.addf %sub3A_720, %mul3A_750 : vector<128x128xf32>
    %slice3A_752 = vector.extract_strided_slice %concatenate3A_237 {offsets = [1, 0], sizes = [1, 128], strides = [1, 1]} : vector<8x128xf32> to vector<1x128xf32>
    %sub3A_753 = vector.broadcast %slice3A_752 : vector<1x128xf32> to vector<128x128xf32>
    %sub3A_754 = arith.subf %add3A_751, %sub3A_753 : vector<128x128xf32>
    %exp3A_755 = math.exp %sub3A_754 : vector<128x128xf32>
    %dot_general3A_756 = arith.constant dense<0.000000e+00> : vector<8x128xf32>
    %dot_general3A_757 = tpu.matmul %select_n3A_12, %exp3A_755, %dot_general3A_756 {dimension_numbers = #tpu.dot_dimension_numbers<[1], [0], [0], [1], [0, 0, 1, 1], [], []>, transpose_lhs_hint = false} : vector<8x128xf32>, vector<128x128xf32>, vector<8x128xf32> -> vector<8x128xf32>
    %slice3A_758 = vector.extract_strided_slice %dot_general3A_757 {offsets = [0, 0], sizes = [1, 128], strides = [1, 1]} : vector<8x128xf32> to vector<1x128xf32>
    %slice3A_759 = vector.extract_strided_slice %exp3A_474 {offsets = [1, 0], sizes = [1, 128], strides = [1, 1]} : vector<8x128xf32> to vector<1x128xf32>
    %mul3A_760 = arith.mulf %slice3A_758, %slice3A_759 : vector<1x128xf32>
    %slice3A_761 = vector.extract_strided_slice %dot_general3A_757 {offsets = [1, 0], sizes = [1, 128], strides = [1, 1]} : vector<8x128xf32> to vector<1x128xf32>
    %slice3A_762 = vector.extract_strided_slice %exp3A_474 {offsets = [1, 0], sizes = [1, 128], strides = [1, 1]} : vector<8x128xf32> to vector<1x128xf32>
    %mul3A_763 = arith.mulf %slice3A_761, %slice3A_762 : vector<1x128xf32>
    %slice3A_764 = vector.extract_strided_slice %dot_general3A_757 {offsets = [0, 0], sizes = [1, 128], strides = [1, 1]} : vector<8x128xf32> to vector<1x128xf32>
    %slice3A_765 = vector.extract_strided_slice %mul3A_475 {offsets = [1, 0], sizes = [1, 128], strides = [1, 1]} : vector<8x128xf32> to vector<1x128xf32>
    %mul3A_766 = arith.mulf %slice3A_764, %slice3A_765 : vector<1x128xf32>
    %get3A_767 = arith.constant 10 : index
    %get3A_768 = arith.constant 0 : index
    %get3A_769 = memref.load %arg1[%get3A_767, %get3A_768] : memref<32x16xf32, #tpu.memory_space<smem>>
    %mul3A_770 = arith.constant 1.200000e+02 : f32
    %mul3A_771 = arith.mulf %mul3A_770, %get3A_769 : f32
    %mul3A_772 = vector.broadcast %mul3A_771 : f32 to vector<128x128xf32>
    %mul3A_773 = arith.mulf %mul3A_772, %get3A_705 : vector<128x128xf32>
    %add3A_774 = arith.addf %sub3A_720, %mul3A_773 : vector<128x128xf32>
    %slice3A_775 = vector.extract_strided_slice %concatenate3A_237 {offsets = [2, 0], sizes = [1, 128], strides = [1, 1]} : vector<8x128xf32> to vector<1x128xf32>
    %sub3A_776 = vector.broadcast %slice3A_775 : vector<1x128xf32> to vector<128x128xf32>
    %sub3A_777 = arith.subf %add3A_774, %sub3A_776 : vector<128x128xf32>
    %exp3A_778 = math.exp %sub3A_777 : vector<128x128xf32>
    %dot_general3A_779 = arith.constant dense<0.000000e+00> : vector<8x128xf32>
    %dot_general3A_780 = tpu.matmul %select_n3A_12, %exp3A_778, %dot_general3A_779 {dimension_numbers = #tpu.dot_dimension_numbers<[1], [0], [0], [1], [0, 0, 1, 1], [], []>, transpose_lhs_hint = false} : vector<8x128xf32>, vector<128x128xf32>, vector<8x128xf32> -> vector<8x128xf32>
    %slice3A_781 = vector.extract_strided_slice %dot_general3A_780 {offsets = [0, 0], sizes = [1, 128], strides = [1, 1]} : vector<8x128xf32> to vector<1x128xf32>
    %slice3A_782 = vector.extract_strided_slice %exp3A_474 {offsets = [2, 0], sizes = [1, 128], strides = [1, 1]} : vector<8x128xf32> to vector<1x128xf32>
    %mul3A_783 = arith.mulf %slice3A_781, %slice3A_782 : vector<1x128xf32>
    %slice3A_784 = vector.extract_strided_slice %dot_general3A_780 {offsets = [1, 0], sizes = [1, 128], strides = [1, 1]} : vector<8x128xf32> to vector<1x128xf32>
    %slice3A_785 = vector.extract_strided_slice %exp3A_474 {offsets = [2, 0], sizes = [1, 128], strides = [1, 1]} : vector<8x128xf32> to vector<1x128xf32>
    %mul3A_786 = arith.mulf %slice3A_784, %slice3A_785 : vector<1x128xf32>
    %slice3A_787 = vector.extract_strided_slice %dot_general3A_780 {offsets = [0, 0], sizes = [1, 128], strides = [1, 1]} : vector<8x128xf32> to vector<1x128xf32>
    %slice3A_788 = vector.extract_strided_slice %mul3A_475 {offsets = [2, 0], sizes = [1, 128], strides = [1, 1]} : vector<8x128xf32> to vector<1x128xf32>
    %mul3A_789 = arith.mulf %slice3A_787, %slice3A_788 : vector<1x128xf32>
    %get3A_790 = arith.constant 11 : index
    %get3A_791 = arith.constant 0 : index
    %get3A_792 = memref.load %arg1[%get3A_790, %get3A_791] : memref<32x16xf32, #tpu.memory_space<smem>>
    %mul3A_793 = arith.constant 1.200000e+02 : f32
    %mul3A_794 = arith.mulf %mul3A_793, %get3A_792 : f32
    %mul3A_795 = vector.broadcast %mul3A_794 : f32 to vector<128x128xf32>
    %mul3A_796 = arith.mulf %mul3A_795, %get3A_705 : vector<128x128xf32>
    %add3A_797 = arith.addf %sub3A_720, %mul3A_796 : vector<128x128xf32>
    %slice3A_798 = vector.extract_strided_slice %concatenate3A_237 {offsets = [3, 0], sizes = [1, 128], strides = [1, 1]} : vector<8x128xf32> to vector<1x128xf32>
    %sub3A_799 = vector.broadcast %slice3A_798 : vector<1x128xf32> to vector<128x128xf32>
    %sub3A_800 = arith.subf %add3A_797, %sub3A_799 : vector<128x128xf32>
    %exp3A_801 = math.exp %sub3A_800 : vector<128x128xf32>
    %dot_general3A_802 = arith.constant dense<0.000000e+00> : vector<8x128xf32>
    %dot_general3A_803 = tpu.matmul %select_n3A_12, %exp3A_801, %dot_general3A_802 {dimension_numbers = #tpu.dot_dimension_numbers<[1], [0], [0], [1], [0, 0, 1, 1], [], []>, transpose_lhs_hint = false} : vector<8x128xf32>, vector<128x128xf32>, vector<8x128xf32> -> vector<8x128xf32>
    %slice3A_804 = vector.extract_strided_slice %dot_general3A_803 {offsets = [0, 0], sizes = [1, 128], strides = [1, 1]} : vector<8x128xf32> to vector<1x128xf32>
    %slice3A_805 = vector.extract_strided_slice %exp3A_474 {offsets = [3, 0], sizes = [1, 128], strides = [1, 1]} : vector<8x128xf32> to vector<1x128xf32>
    %mul3A_806 = arith.mulf %slice3A_804, %slice3A_805 : vector<1x128xf32>
    %slice3A_807 = vector.extract_strided_slice %dot_general3A_803 {offsets = [1, 0], sizes = [1, 128], strides = [1, 1]} : vector<8x128xf32> to vector<1x128xf32>
    %slice3A_808 = vector.extract_strided_slice %exp3A_474 {offsets = [3, 0], sizes = [1, 128], strides = [1, 1]} : vector<8x128xf32> to vector<1x128xf32>
    %mul3A_809 = arith.mulf %slice3A_807, %slice3A_808 : vector<1x128xf32>
    %slice3A_810 = vector.extract_strided_slice %dot_general3A_803 {offsets = [0, 0], sizes = [1, 128], strides = [1, 1]} : vector<8x128xf32> to vector<1x128xf32>
    %slice3A_811 = vector.extract_strided_slice %mul3A_475 {offsets = [3, 0], sizes = [1, 128], strides = [1, 1]} : vector<8x128xf32> to vector<1x128xf32>
    %mul3A_812 = arith.mulf %slice3A_810, %slice3A_811 : vector<1x128xf32>
    %get3A_813 = arith.constant 12 : index
    %get3A_814 = arith.constant 0 : index
    %get3A_815 = memref.load %arg1[%get3A_813, %get3A_814] : memref<32x16xf32, #tpu.memory_space<smem>>
    %mul3A_816 = arith.constant 1.200000e+02 : f32
    %mul3A_817 = arith.mulf %mul3A_816, %get3A_815 : f32
    %mul3A_818 = vector.broadcast %mul3A_817 : f32 to vector<128x128xf32>
    %mul3A_819 = arith.mulf %mul3A_818, %get3A_705 : vector<128x128xf32>
    %add3A_820 = arith.addf %sub3A_720, %mul3A_819 : vector<128x128xf32>
    %slice3A_821 = vector.extract_strided_slice %concatenate3A_237 {offsets = [4, 0], sizes = [1, 128], strides = [1, 1]} : vector<8x128xf32> to vector<1x128xf32>
    %sub3A_822 = vector.broadcast %slice3A_821 : vector<1x128xf32> to vector<128x128xf32>
    %sub3A_823 = arith.subf %add3A_820, %sub3A_822 : vector<128x128xf32>
    %exp3A_824 = math.exp %sub3A_823 : vector<128x128xf32>
    %dot_general3A_825 = arith.constant dense<0.000000e+00> : vector<8x128xf32>
    %dot_general3A_826 = tpu.matmul %select_n3A_12, %exp3A_824, %dot_general3A_825 {dimension_numbers = #tpu.dot_dimension_numbers<[1], [0], [0], [1], [0, 0, 1, 1], [], []>, transpose_lhs_hint = false} : vector<8x128xf32>, vector<128x128xf32>, vector<8x128xf32> -> vector<8x128xf32>
    %slice3A_827 = vector.extract_strided_slice %dot_general3A_826 {offsets = [0, 0], sizes = [1, 128], strides = [1, 1]} : vector<8x128xf32> to vector<1x128xf32>
    %slice3A_828 = vector.extract_strided_slice %exp3A_474 {offsets = [4, 0], sizes = [1, 128], strides = [1, 1]} : vector<8x128xf32> to vector<1x128xf32>
    %mul3A_829 = arith.mulf %slice3A_827, %slice3A_828 : vector<1x128xf32>
    %slice3A_830 = vector.extract_strided_slice %dot_general3A_826 {offsets = [1, 0], sizes = [1, 128], strides = [1, 1]} : vector<8x128xf32> to vector<1x128xf32>
    %slice3A_831 = vector.extract_strided_slice %exp3A_474 {offsets = [4, 0], sizes = [1, 128], strides = [1, 1]} : vector<8x128xf32> to vector<1x128xf32>
    %mul3A_832 = arith.mulf %slice3A_830, %slice3A_831 : vector<1x128xf32>
    %slice3A_833 = vector.extract_strided_slice %dot_general3A_826 {offsets = [0, 0], sizes = [1, 128], strides = [1, 1]} : vector<8x128xf32> to vector<1x128xf32>
    %slice3A_834 = vector.extract_strided_slice %mul3A_475 {offsets = [4, 0], sizes = [1, 128], strides = [1, 1]} : vector<8x128xf32> to vector<1x128xf32>
    %mul3A_835 = arith.mulf %slice3A_833, %slice3A_834 : vector<1x128xf32>
    %get3A_836 = arith.constant 13 : index
    %get3A_837 = arith.constant 0 : index
    %get3A_838 = memref.load %arg1[%get3A_836, %get3A_837] : memref<32x16xf32, #tpu.memory_space<smem>>
    %mul3A_839 = arith.constant 1.200000e+02 : f32
    %mul3A_840 = arith.mulf %mul3A_839, %get3A_838 : f32
    %mul3A_841 = vector.broadcast %mul3A_840 : f32 to vector<128x128xf32>
    %mul3A_842 = arith.mulf %mul3A_841, %get3A_705 : vector<128x128xf32>
    %add3A_843 = arith.addf %sub3A_720, %mul3A_842 : vector<128x128xf32>
    %slice3A_844 = vector.extract_strided_slice %concatenate3A_237 {offsets = [5, 0], sizes = [1, 128], strides = [1, 1]} : vector<8x128xf32> to vector<1x128xf32>
    %sub3A_845 = vector.broadcast %slice3A_844 : vector<1x128xf32> to vector<128x128xf32>
    %sub3A_846 = arith.subf %add3A_843, %sub3A_845 : vector<128x128xf32>
    %exp3A_847 = math.exp %sub3A_846 : vector<128x128xf32>
    %dot_general3A_848 = arith.constant dense<0.000000e+00> : vector<8x128xf32>
    %dot_general3A_849 = tpu.matmul %select_n3A_12, %exp3A_847, %dot_general3A_848 {dimension_numbers = #tpu.dot_dimension_numbers<[1], [0], [0], [1], [0, 0, 1, 1], [], []>, transpose_lhs_hint = false} : vector<8x128xf32>, vector<128x128xf32>, vector<8x128xf32> -> vector<8x128xf32>
    %slice3A_850 = vector.extract_strided_slice %dot_general3A_849 {offsets = [0, 0], sizes = [1, 128], strides = [1, 1]} : vector<8x128xf32> to vector<1x128xf32>
    %slice3A_851 = vector.extract_strided_slice %exp3A_474 {offsets = [5, 0], sizes = [1, 128], strides = [1, 1]} : vector<8x128xf32> to vector<1x128xf32>
    %mul3A_852 = arith.mulf %slice3A_850, %slice3A_851 : vector<1x128xf32>
    %slice3A_853 = vector.extract_strided_slice %dot_general3A_849 {offsets = [1, 0], sizes = [1, 128], strides = [1, 1]} : vector<8x128xf32> to vector<1x128xf32>
    %slice3A_854 = vector.extract_strided_slice %exp3A_474 {offsets = [5, 0], sizes = [1, 128], strides = [1, 1]} : vector<8x128xf32> to vector<1x128xf32>
    %mul3A_855 = arith.mulf %slice3A_853, %slice3A_854 : vector<1x128xf32>
    %slice3A_856 = vector.extract_strided_slice %dot_general3A_849 {offsets = [0, 0], sizes = [1, 128], strides = [1, 1]} : vector<8x128xf32> to vector<1x128xf32>
    %slice3A_857 = vector.extract_strided_slice %mul3A_475 {offsets = [5, 0], sizes = [1, 128], strides = [1, 1]} : vector<8x128xf32> to vector<1x128xf32>
    %mul3A_858 = arith.mulf %slice3A_856, %slice3A_857 : vector<1x128xf32>
    %get3A_859 = arith.constant 14 : index
    %get3A_860 = arith.constant 0 : index
    %get3A_861 = memref.load %arg1[%get3A_859, %get3A_860] : memref<32x16xf32, #tpu.memory_space<smem>>
    %mul3A_862 = arith.constant 1.200000e+02 : f32
    %mul3A_863 = arith.mulf %mul3A_862, %get3A_861 : f32
    %mul3A_864 = vector.broadcast %mul3A_863 : f32 to vector<128x128xf32>
    %mul3A_865 = arith.mulf %mul3A_864, %get3A_705 : vector<128x128xf32>
    %add3A_866 = arith.addf %sub3A_720, %mul3A_865 : vector<128x128xf32>
    %slice3A_867 = vector.extract_strided_slice %concatenate3A_237 {offsets = [6, 0], sizes = [1, 128], strides = [1, 1]} : vector<8x128xf32> to vector<1x128xf32>
    %sub3A_868 = vector.broadcast %slice3A_867 : vector<1x128xf32> to vector<128x128xf32>
    %sub3A_869 = arith.subf %add3A_866, %sub3A_868 : vector<128x128xf32>
    %exp3A_870 = math.exp %sub3A_869 : vector<128x128xf32>
    %dot_general3A_871 = arith.constant dense<0.000000e+00> : vector<8x128xf32>
    %dot_general3A_872 = tpu.matmul %select_n3A_12, %exp3A_870, %dot_general3A_871 {dimension_numbers = #tpu.dot_dimension_numbers<[1], [0], [0], [1], [0, 0, 1, 1], [], []>, transpose_lhs_hint = false} : vector<8x128xf32>, vector<128x128xf32>, vector<8x128xf32> -> vector<8x128xf32>
    %slice3A_873 = vector.extract_strided_slice %dot_general3A_872 {offsets = [0, 0], sizes = [1, 128], strides = [1, 1]} : vector<8x128xf32> to vector<1x128xf32>
    %slice3A_874 = vector.extract_strided_slice %exp3A_474 {offsets = [6, 0], sizes = [1, 128], strides = [1, 1]} : vector<8x128xf32> to vector<1x128xf32>
    %mul3A_875 = arith.mulf %slice3A_873, %slice3A_874 : vector<1x128xf32>
    %slice3A_876 = vector.extract_strided_slice %dot_general3A_872 {offsets = [1, 0], sizes = [1, 128], strides = [1, 1]} : vector<8x128xf32> to vector<1x128xf32>
    %slice3A_877 = vector.extract_strided_slice %exp3A_474 {offsets = [6, 0], sizes = [1, 128], strides = [1, 1]} : vector<8x128xf32> to vector<1x128xf32>
    %mul3A_878 = arith.mulf %slice3A_876, %slice3A_877 : vector<1x128xf32>
    %slice3A_879 = vector.extract_strided_slice %dot_general3A_872 {offsets = [0, 0], sizes = [1, 128], strides = [1, 1]} : vector<8x128xf32> to vector<1x128xf32>
    %slice3A_880 = vector.extract_strided_slice %mul3A_475 {offsets = [6, 0], sizes = [1, 128], strides = [1, 1]} : vector<8x128xf32> to vector<1x128xf32>
    %mul3A_881 = arith.mulf %slice3A_879, %slice3A_880 : vector<1x128xf32>
    %get3A_882 = arith.constant 15 : index
    %get3A_883 = arith.constant 0 : index
    %get3A_884 = memref.load %arg1[%get3A_882, %get3A_883] : memref<32x16xf32, #tpu.memory_space<smem>>
    %mul3A_885 = arith.constant 1.200000e+02 : f32
    %mul3A_886 = arith.mulf %mul3A_885, %get3A_884 : f32
    %mul3A_887 = vector.broadcast %mul3A_886 : f32 to vector<128x128xf32>
    %mul3A_888 = arith.mulf %mul3A_887, %get3A_705 : vector<128x128xf32>
    %add3A_889 = arith.addf %sub3A_720, %mul3A_888 : vector<128x128xf32>
    %slice3A_890 = vector.extract_strided_slice %concatenate3A_237 {offsets = [7, 0], sizes = [1, 128], strides = [1, 1]} : vector<8x128xf32> to vector<1x128xf32>
    %sub3A_891 = vector.broadcast %slice3A_890 : vector<1x128xf32> to vector<128x128xf32>
    %sub3A_892 = arith.subf %add3A_889, %sub3A_891 : vector<128x128xf32>
    %exp3A_893 = math.exp %sub3A_892 : vector<128x128xf32>
    %dot_general3A_894 = arith.constant dense<0.000000e+00> : vector<8x128xf32>
    %dot_general3A_895 = tpu.matmul %select_n3A_12, %exp3A_893, %dot_general3A_894 {dimension_numbers = #tpu.dot_dimension_numbers<[1], [0], [0], [1], [0, 0, 1, 1], [], []>, transpose_lhs_hint = false} : vector<8x128xf32>, vector<128x128xf32>, vector<8x128xf32> -> vector<8x128xf32>
    %slice3A_896 = vector.extract_strided_slice %dot_general3A_895 {offsets = [0, 0], sizes = [1, 128], strides = [1, 1]} : vector<8x128xf32> to vector<1x128xf32>
    %slice3A_897 = vector.extract_strided_slice %exp3A_474 {offsets = [7, 0], sizes = [1, 128], strides = [1, 1]} : vector<8x128xf32> to vector<1x128xf32>
    %mul3A_898 = arith.mulf %slice3A_896, %slice3A_897 : vector<1x128xf32>
    %slice3A_899 = vector.extract_strided_slice %dot_general3A_895 {offsets = [1, 0], sizes = [1, 128], strides = [1, 1]} : vector<8x128xf32> to vector<1x128xf32>
    %slice3A_900 = vector.extract_strided_slice %exp3A_474 {offsets = [7, 0], sizes = [1, 128], strides = [1, 1]} : vector<8x128xf32> to vector<1x128xf32>
    %mul3A_901 = arith.mulf %slice3A_899, %slice3A_900 : vector<1x128xf32>
    %slice3A_902 = vector.extract_strided_slice %dot_general3A_895 {offsets = [0, 0], sizes = [1, 128], strides = [1, 1]} : vector<8x128xf32> to vector<1x128xf32>
    %slice3A_903 = vector.extract_strided_slice %mul3A_475 {offsets = [7, 0], sizes = [1, 128], strides = [1, 1]} : vector<8x128xf32> to vector<1x128xf32>
    %mul3A_904 = arith.mulf %slice3A_902, %slice3A_903 : vector<1x128xf32>
    %concatenate3A_905 = tpu.concatenate %mul3A_737, %mul3A_760, %mul3A_783, %mul3A_806, %mul3A_829, %mul3A_852, %mul3A_875, %mul3A_898, %mul3A_740, %mul3A_763, %mul3A_786, %mul3A_809, %mul3A_832, %mul3A_855, %mul3A_878, %mul3A_901, %mul3A_743, %mul3A_766, %mul3A_789, %mul3A_812, %mul3A_835, %mul3A_858, %mul3A_881, %mul3A_904 in 0 : vector<1x128xf32>, vector<1x128xf32>, vector<1x128xf32>, vector<1x128xf32>, vector<1x128xf32>, vector<1x128xf32>, vector<1x128xf32>, vector<1x128xf32>, vector<1x128xf32>, vector<1x128xf32>, vector<1x128xf32>, vector<1x128xf32>, vector<1x128xf32>, vector<1x128xf32>, vector<1x128xf32>, vector<1x128xf32>, vector<1x128xf32>, vector<1x128xf32>, vector<1x128xf32>, vector<1x128xf32>, vector<1x128xf32>, vector<1x128xf32>, vector<1x128xf32>, vector<1x128xf32> -> vector<24x128xf32>
    %get3A_906 = arith.constant 1 : index
    %get3A_907 = arith.constant 0 : index
    %get3A_908 = arith.constant 0 : index
    %get3A_909 = arith.constant 0 : index
    %get3A_910 = arith.constant 0 : index
    %get3A_911 = vector.load %arg4[%get3A_906, %get3A_907, %get3A_908, %get3A_909, %get3A_910] : memref<2x2x1x128x128xf32, #tpu.memory_space<vmem>>, vector<1x1x1x128x128xf32>
    %get3A_912 = vector.shape_cast %get3A_911 : vector<1x1x1x128x128xf32> to vector<128x128xf32>
    %get3A_913 = arith.constant 1 : index
    %get3A_914 = arith.constant 0 : index
    %get3A_915 = arith.constant 0 : index
    %get3A_916 = arith.constant 0 : index
    %get3A_917 = arith.constant 0 : index
    %get3A_918 = vector.load %arg3[%get3A_913, %get3A_914, %get3A_915, %get3A_916, %get3A_917] : memref<2x2x1x128x128xf32, #tpu.memory_space<vmem>>, vector<1x1x1x128x128xf32>
    %get3A_919 = vector.shape_cast %get3A_918 : vector<1x1x1x128x128xf32> to vector<128x128xf32>
    %mul3A_920 = arith.constant 3.000000e+01 : f32
    %mul3A_921 = vector.broadcast %mul3A_920 : f32 to vector<128x128xf32>
    %mul3A_922 = arith.mulf %mul3A_921, %get3A_919 : vector<128x128xf32>
    %mul3A_923 = arith.mulf %get3A_912, %get3A_912 : vector<128x128xf32>
    %mul3A_924 = arith.constant 6.000000e+01 : f32
    %mul3A_925 = vector.broadcast %mul3A_924 : f32 to vector<128x128xf32>
    %mul3A_926 = arith.mulf %mul3A_925, %mul3A_923 : vector<128x128xf32>
    %sub3A_927 = arith.subf %mul3A_922, %mul3A_926 : vector<128x128xf32>
    %get3A_928 = arith.constant 16 : index
    %get3A_929 = arith.constant 0 : index
    %get3A_930 = memref.load %arg1[%get3A_928, %get3A_929] : memref<32x16xf32, #tpu.memory_space<smem>>
    %mul3A_931 = arith.constant 1.200000e+02 : f32
    %mul3A_932 = arith.mulf %mul3A_931, %get3A_930 : f32
    %mul3A_933 = vector.broadcast %mul3A_932 : f32 to vector<128x128xf32>
    %mul3A_934 = arith.mulf %mul3A_933, %get3A_912 : vector<128x128xf32>
    %add3A_935 = arith.addf %sub3A_927, %mul3A_934 : vector<128x128xf32>
    %slice3A_936 = vector.extract_strided_slice %concatenate3A_348 {offsets = [0, 0], sizes = [1, 128], strides = [1, 1]} : vector<8x128xf32> to vector<1x128xf32>
    %sub3A_937 = vector.broadcast %slice3A_936 : vector<1x128xf32> to vector<128x128xf32>
    %sub3A_938 = arith.subf %add3A_935, %sub3A_937 : vector<128x128xf32>
    %exp3A_939 = math.exp %sub3A_938 : vector<128x128xf32>
    %dot_general3A_940 = arith.constant dense<0.000000e+00> : vector<8x128xf32>
    %dot_general3A_941 = tpu.matmul %select_n3A_12, %exp3A_939, %dot_general3A_940 {dimension_numbers = #tpu.dot_dimension_numbers<[1], [0], [0], [1], [0, 0, 1, 1], [], []>, transpose_lhs_hint = false} : vector<8x128xf32>, vector<128x128xf32>, vector<8x128xf32> -> vector<8x128xf32>
    %slice3A_942 = vector.extract_strided_slice %dot_general3A_941 {offsets = [0, 0], sizes = [1, 128], strides = [1, 1]} : vector<8x128xf32> to vector<1x128xf32>
    %slice3A_943 = vector.extract_strided_slice %exp3A_483 {offsets = [0, 0], sizes = [1, 128], strides = [1, 1]} : vector<8x128xf32> to vector<1x128xf32>
    %mul3A_944 = arith.mulf %slice3A_942, %slice3A_943 : vector<1x128xf32>
    %slice3A_945 = vector.extract_strided_slice %dot_general3A_941 {offsets = [1, 0], sizes = [1, 128], strides = [1, 1]} : vector<8x128xf32> to vector<1x128xf32>
    %slice3A_946 = vector.extract_strided_slice %exp3A_483 {offsets = [0, 0], sizes = [1, 128], strides = [1, 1]} : vector<8x128xf32> to vector<1x128xf32>
    %mul3A_947 = arith.mulf %slice3A_945, %slice3A_946 : vector<1x128xf32>
    %slice3A_948 = vector.extract_strided_slice %dot_general3A_941 {offsets = [0, 0], sizes = [1, 128], strides = [1, 1]} : vector<8x128xf32> to vector<1x128xf32>
    %slice3A_949 = vector.extract_strided_slice %mul3A_484 {offsets = [0, 0], sizes = [1, 128], strides = [1, 1]} : vector<8x128xf32> to vector<1x128xf32>
    %mul3A_950 = arith.mulf %slice3A_948, %slice3A_949 : vector<1x128xf32>
    %get3A_951 = arith.constant 17 : index
    %get3A_952 = arith.constant 0 : index
    %get3A_953 = memref.load %arg1[%get3A_951, %get3A_952] : memref<32x16xf32, #tpu.memory_space<smem>>
    %mul3A_954 = arith.constant 1.200000e+02 : f32
    %mul3A_955 = arith.mulf %mul3A_954, %get3A_953 : f32
    %mul3A_956 = vector.broadcast %mul3A_955 : f32 to vector<128x128xf32>
    %mul3A_957 = arith.mulf %mul3A_956, %get3A_912 : vector<128x128xf32>
    %add3A_958 = arith.addf %sub3A_927, %mul3A_957 : vector<128x128xf32>
    %slice3A_959 = vector.extract_strided_slice %concatenate3A_348 {offsets = [1, 0], sizes = [1, 128], strides = [1, 1]} : vector<8x128xf32> to vector<1x128xf32>
    %sub3A_960 = vector.broadcast %slice3A_959 : vector<1x128xf32> to vector<128x128xf32>
    %sub3A_961 = arith.subf %add3A_958, %sub3A_960 : vector<128x128xf32>
    %exp3A_962 = math.exp %sub3A_961 : vector<128x128xf32>
    %dot_general3A_963 = arith.constant dense<0.000000e+00> : vector<8x128xf32>
    %dot_general3A_964 = tpu.matmul %select_n3A_12, %exp3A_962, %dot_general3A_963 {dimension_numbers = #tpu.dot_dimension_numbers<[1], [0], [0], [1], [0, 0, 1, 1], [], []>, transpose_lhs_hint = false} : vector<8x128xf32>, vector<128x128xf32>, vector<8x128xf32> -> vector<8x128xf32>
    %slice3A_965 = vector.extract_strided_slice %dot_general3A_964 {offsets = [0, 0], sizes = [1, 128], strides = [1, 1]} : vector<8x128xf32> to vector<1x128xf32>
    %slice3A_966 = vector.extract_strided_slice %exp3A_483 {offsets = [1, 0], sizes = [1, 128], strides = [1, 1]} : vector<8x128xf32> to vector<1x128xf32>
    %mul3A_967 = arith.mulf %slice3A_965, %slice3A_966 : vector<1x128xf32>
    %slice3A_968 = vector.extract_strided_slice %dot_general3A_964 {offsets = [1, 0], sizes = [1, 128], strides = [1, 1]} : vector<8x128xf32> to vector<1x128xf32>
    %slice3A_969 = vector.extract_strided_slice %exp3A_483 {offsets = [1, 0], sizes = [1, 128], strides = [1, 1]} : vector<8x128xf32> to vector<1x128xf32>
    %mul3A_970 = arith.mulf %slice3A_968, %slice3A_969 : vector<1x128xf32>
    %slice3A_971 = vector.extract_strided_slice %dot_general3A_964 {offsets = [0, 0], sizes = [1, 128], strides = [1, 1]} : vector<8x128xf32> to vector<1x128xf32>
    %slice3A_972 = vector.extract_strided_slice %mul3A_484 {offsets = [1, 0], sizes = [1, 128], strides = [1, 1]} : vector<8x128xf32> to vector<1x128xf32>
    %mul3A_973 = arith.mulf %slice3A_971, %slice3A_972 : vector<1x128xf32>
    %get3A_974 = arith.constant 18 : index
    %get3A_975 = arith.constant 0 : index
    %get3A_976 = memref.load %arg1[%get3A_974, %get3A_975] : memref<32x16xf32, #tpu.memory_space<smem>>
    %mul3A_977 = arith.constant 1.200000e+02 : f32
    %mul3A_978 = arith.mulf %mul3A_977, %get3A_976 : f32
    %mul3A_979 = vector.broadcast %mul3A_978 : f32 to vector<128x128xf32>
    %mul3A_980 = arith.mulf %mul3A_979, %get3A_912 : vector<128x128xf32>
    %add3A_981 = arith.addf %sub3A_927, %mul3A_980 : vector<128x128xf32>
    %slice3A_982 = vector.extract_strided_slice %concatenate3A_348 {offsets = [2, 0], sizes = [1, 128], strides = [1, 1]} : vector<8x128xf32> to vector<1x128xf32>
    %sub3A_983 = vector.broadcast %slice3A_982 : vector<1x128xf32> to vector<128x128xf32>
    %sub3A_984 = arith.subf %add3A_981, %sub3A_983 : vector<128x128xf32>
    %exp3A_985 = math.exp %sub3A_984 : vector<128x128xf32>
    %dot_general3A_986 = arith.constant dense<0.000000e+00> : vector<8x128xf32>
    %dot_general3A_987 = tpu.matmul %select_n3A_12, %exp3A_985, %dot_general3A_986 {dimension_numbers = #tpu.dot_dimension_numbers<[1], [0], [0], [1], [0, 0, 1, 1], [], []>, transpose_lhs_hint = false} : vector<8x128xf32>, vector<128x128xf32>, vector<8x128xf32> -> vector<8x128xf32>
    %slice3A_988 = vector.extract_strided_slice %dot_general3A_987 {offsets = [0, 0], sizes = [1, 128], strides = [1, 1]} : vector<8x128xf32> to vector<1x128xf32>
    %slice3A_989 = vector.extract_strided_slice %exp3A_483 {offsets = [2, 0], sizes = [1, 128], strides = [1, 1]} : vector<8x128xf32> to vector<1x128xf32>
    %mul3A_990 = arith.mulf %slice3A_988, %slice3A_989 : vector<1x128xf32>
    %slice3A_991 = vector.extract_strided_slice %dot_general3A_987 {offsets = [1, 0], sizes = [1, 128], strides = [1, 1]} : vector<8x128xf32> to vector<1x128xf32>
    %slice3A_992 = vector.extract_strided_slice %exp3A_483 {offsets = [2, 0], sizes = [1, 128], strides = [1, 1]} : vector<8x128xf32> to vector<1x128xf32>
    %mul3A_993 = arith.mulf %slice3A_991, %slice3A_992 : vector<1x128xf32>
    %slice3A_994 = vector.extract_strided_slice %dot_general3A_987 {offsets = [0, 0], sizes = [1, 128], strides = [1, 1]} : vector<8x128xf32> to vector<1x128xf32>
    %slice3A_995 = vector.extract_strided_slice %mul3A_484 {offsets = [2, 0], sizes = [1, 128], strides = [1, 1]} : vector<8x128xf32> to vector<1x128xf32>
    %mul3A_996 = arith.mulf %slice3A_994, %slice3A_995 : vector<1x128xf32>
    %get3A_997 = arith.constant 19 : index
    %get3A_998 = arith.constant 0 : index
    %get3A_999 = memref.load %arg1[%get3A_997, %get3A_998] : memref<32x16xf32, #tpu.memory_space<smem>>
    %mul3A_1000 = arith.constant 1.200000e+02 : f32
    %mul3A_1001 = arith.mulf %mul3A_1000, %get3A_999 : f32
    %mul3A_1002 = vector.broadcast %mul3A_1001 : f32 to vector<128x128xf32>
    %mul3A_1003 = arith.mulf %mul3A_1002, %get3A_912 : vector<128x128xf32>
    %add3A_1004 = arith.addf %sub3A_927, %mul3A_1003 : vector<128x128xf32>
    %slice3A_1005 = vector.extract_strided_slice %concatenate3A_348 {offsets = [3, 0], sizes = [1, 128], strides = [1, 1]} : vector<8x128xf32> to vector<1x128xf32>
    %sub3A_1006 = vector.broadcast %slice3A_1005 : vector<1x128xf32> to vector<128x128xf32>
    %sub3A_1007 = arith.subf %add3A_1004, %sub3A_1006 : vector<128x128xf32>
    %exp3A_1008 = math.exp %sub3A_1007 : vector<128x128xf32>
    %dot_general3A_1009 = arith.constant dense<0.000000e+00> : vector<8x128xf32>
    %dot_general3A_1010 = tpu.matmul %select_n3A_12, %exp3A_1008, %dot_general3A_1009 {dimension_numbers = #tpu.dot_dimension_numbers<[1], [0], [0], [1], [0, 0, 1, 1], [], []>, transpose_lhs_hint = false} : vector<8x128xf32>, vector<128x128xf32>, vector<8x128xf32> -> vector<8x128xf32>
    %slice3A_1011 = vector.extract_strided_slice %dot_general3A_1010 {offsets = [0, 0], sizes = [1, 128], strides = [1, 1]} : vector<8x128xf32> to vector<1x128xf32>
    %slice3A_1012 = vector.extract_strided_slice %exp3A_483 {offsets = [3, 0], sizes = [1, 128], strides = [1, 1]} : vector<8x128xf32> to vector<1x128xf32>
    %mul3A_1013 = arith.mulf %slice3A_1011, %slice3A_1012 : vector<1x128xf32>
    %slice3A_1014 = vector.extract_strided_slice %dot_general3A_1010 {offsets = [1, 0], sizes = [1, 128], strides = [1, 1]} : vector<8x128xf32> to vector<1x128xf32>
    %slice3A_1015 = vector.extract_strided_slice %exp3A_483 {offsets = [3, 0], sizes = [1, 128], strides = [1, 1]} : vector<8x128xf32> to vector<1x128xf32>
    %mul3A_1016 = arith.mulf %slice3A_1014, %slice3A_1015 : vector<1x128xf32>
    %slice3A_1017 = vector.extract_strided_slice %dot_general3A_1010 {offsets = [0, 0], sizes = [1, 128], strides = [1, 1]} : vector<8x128xf32> to vector<1x128xf32>
    %slice3A_1018 = vector.extract_strided_slice %mul3A_484 {offsets = [3, 0], sizes = [1, 128], strides = [1, 1]} : vector<8x128xf32> to vector<1x128xf32>
    %mul3A_1019 = arith.mulf %slice3A_1017, %slice3A_1018 : vector<1x128xf32>
    %get3A_1020 = arith.constant 20 : index
    %get3A_1021 = arith.constant 0 : index
    %get3A_1022 = memref.load %arg1[%get3A_1020, %get3A_1021] : memref<32x16xf32, #tpu.memory_space<smem>>
    %mul3A_1023 = arith.constant 1.200000e+02 : f32
    %mul3A_1024 = arith.mulf %mul3A_1023, %get3A_1022 : f32
    %mul3A_1025 = vector.broadcast %mul3A_1024 : f32 to vector<128x128xf32>
    %mul3A_1026 = arith.mulf %mul3A_1025, %get3A_912 : vector<128x128xf32>
    %add3A_1027 = arith.addf %sub3A_927, %mul3A_1026 : vector<128x128xf32>
    %slice3A_1028 = vector.extract_strided_slice %concatenate3A_348 {offsets = [4, 0], sizes = [1, 128], strides = [1, 1]} : vector<8x128xf32> to vector<1x128xf32>
    %sub3A_1029 = vector.broadcast %slice3A_1028 : vector<1x128xf32> to vector<128x128xf32>
    %sub3A_1030 = arith.subf %add3A_1027, %sub3A_1029 : vector<128x128xf32>
    %exp3A_1031 = math.exp %sub3A_1030 : vector<128x128xf32>
    %dot_general3A_1032 = arith.constant dense<0.000000e+00> : vector<8x128xf32>
    %dot_general3A_1033 = tpu.matmul %select_n3A_12, %exp3A_1031, %dot_general3A_1032 {dimension_numbers = #tpu.dot_dimension_numbers<[1], [0], [0], [1], [0, 0, 1, 1], [], []>, transpose_lhs_hint = false} : vector<8x128xf32>, vector<128x128xf32>, vector<8x128xf32> -> vector<8x128xf32>
    %slice3A_1034 = vector.extract_strided_slice %dot_general3A_1033 {offsets = [0, 0], sizes = [1, 128], strides = [1, 1]} : vector<8x128xf32> to vector<1x128xf32>
    %slice3A_1035 = vector.extract_strided_slice %exp3A_483 {offsets = [4, 0], sizes = [1, 128], strides = [1, 1]} : vector<8x128xf32> to vector<1x128xf32>
    %mul3A_1036 = arith.mulf %slice3A_1034, %slice3A_1035 : vector<1x128xf32>
    %slice3A_1037 = vector.extract_strided_slice %dot_general3A_1033 {offsets = [1, 0], sizes = [1, 128], strides = [1, 1]} : vector<8x128xf32> to vector<1x128xf32>
    %slice3A_1038 = vector.extract_strided_slice %exp3A_483 {offsets = [4, 0], sizes = [1, 128], strides = [1, 1]} : vector<8x128xf32> to vector<1x128xf32>
    %mul3A_1039 = arith.mulf %slice3A_1037, %slice3A_1038 : vector<1x128xf32>
    %slice3A_1040 = vector.extract_strided_slice %dot_general3A_1033 {offsets = [0, 0], sizes = [1, 128], strides = [1, 1]} : vector<8x128xf32> to vector<1x128xf32>
    %slice3A_1041 = vector.extract_strided_slice %mul3A_484 {offsets = [4, 0], sizes = [1, 128], strides = [1, 1]} : vector<8x128xf32> to vector<1x128xf32>
    %mul3A_1042 = arith.mulf %slice3A_1040, %slice3A_1041 : vector<1x128xf32>
    %get3A_1043 = arith.constant 21 : index
    %get3A_1044 = arith.constant 0 : index
    %get3A_1045 = memref.load %arg1[%get3A_1043, %get3A_1044] : memref<32x16xf32, #tpu.memory_space<smem>>
    %mul3A_1046 = arith.constant 1.200000e+02 : f32
    %mul3A_1047 = arith.mulf %mul3A_1046, %get3A_1045 : f32
    %mul3A_1048 = vector.broadcast %mul3A_1047 : f32 to vector<128x128xf32>
    %mul3A_1049 = arith.mulf %mul3A_1048, %get3A_912 : vector<128x128xf32>
    %add3A_1050 = arith.addf %sub3A_927, %mul3A_1049 : vector<128x128xf32>
    %slice3A_1051 = vector.extract_strided_slice %concatenate3A_348 {offsets = [5, 0], sizes = [1, 128], strides = [1, 1]} : vector<8x128xf32> to vector<1x128xf32>
    %sub3A_1052 = vector.broadcast %slice3A_1051 : vector<1x128xf32> to vector<128x128xf32>
    %sub3A_1053 = arith.subf %add3A_1050, %sub3A_1052 : vector<128x128xf32>
    %exp3A_1054 = math.exp %sub3A_1053 : vector<128x128xf32>
    %dot_general3A_1055 = arith.constant dense<0.000000e+00> : vector<8x128xf32>
    %dot_general3A_1056 = tpu.matmul %select_n3A_12, %exp3A_1054, %dot_general3A_1055 {dimension_numbers = #tpu.dot_dimension_numbers<[1], [0], [0], [1], [0, 0, 1, 1], [], []>, transpose_lhs_hint = false} : vector<8x128xf32>, vector<128x128xf32>, vector<8x128xf32> -> vector<8x128xf32>
    %slice3A_1057 = vector.extract_strided_slice %dot_general3A_1056 {offsets = [0, 0], sizes = [1, 128], strides = [1, 1]} : vector<8x128xf32> to vector<1x128xf32>
    %slice3A_1058 = vector.extract_strided_slice %exp3A_483 {offsets = [5, 0], sizes = [1, 128], strides = [1, 1]} : vector<8x128xf32> to vector<1x128xf32>
    %mul3A_1059 = arith.mulf %slice3A_1057, %slice3A_1058 : vector<1x128xf32>
    %slice3A_1060 = vector.extract_strided_slice %dot_general3A_1056 {offsets = [1, 0], sizes = [1, 128], strides = [1, 1]} : vector<8x128xf32> to vector<1x128xf32>
    %slice3A_1061 = vector.extract_strided_slice %exp3A_483 {offsets = [5, 0], sizes = [1, 128], strides = [1, 1]} : vector<8x128xf32> to vector<1x128xf32>
    %mul3A_1062 = arith.mulf %slice3A_1060, %slice3A_1061 : vector<1x128xf32>
    %slice3A_1063 = vector.extract_strided_slice %dot_general3A_1056 {offsets = [0, 0], sizes = [1, 128], strides = [1, 1]} : vector<8x128xf32> to vector<1x128xf32>
    %slice3A_1064 = vector.extract_strided_slice %mul3A_484 {offsets = [5, 0], sizes = [1, 128], strides = [1, 1]} : vector<8x128xf32> to vector<1x128xf32>
    %mul3A_1065 = arith.mulf %slice3A_1063, %slice3A_1064 : vector<1x128xf32>
    %get3A_1066 = arith.constant 22 : index
    %get3A_1067 = arith.constant 0 : index
    %get3A_1068 = memref.load %arg1[%get3A_1066, %get3A_1067] : memref<32x16xf32, #tpu.memory_space<smem>>
    %mul3A_1069 = arith.constant 1.200000e+02 : f32
    %mul3A_1070 = arith.mulf %mul3A_1069, %get3A_1068 : f32
    %mul3A_1071 = vector.broadcast %mul3A_1070 : f32 to vector<128x128xf32>
    %mul3A_1072 = arith.mulf %mul3A_1071, %get3A_912 : vector<128x128xf32>
    %add3A_1073 = arith.addf %sub3A_927, %mul3A_1072 : vector<128x128xf32>
    %slice3A_1074 = vector.extract_strided_slice %concatenate3A_348 {offsets = [6, 0], sizes = [1, 128], strides = [1, 1]} : vector<8x128xf32> to vector<1x128xf32>
    %sub3A_1075 = vector.broadcast %slice3A_1074 : vector<1x128xf32> to vector<128x128xf32>
    %sub3A_1076 = arith.subf %add3A_1073, %sub3A_1075 : vector<128x128xf32>
    %exp3A_1077 = math.exp %sub3A_1076 : vector<128x128xf32>
    %dot_general3A_1078 = arith.constant dense<0.000000e+00> : vector<8x128xf32>
    %dot_general3A_1079 = tpu.matmul %select_n3A_12, %exp3A_1077, %dot_general3A_1078 {dimension_numbers = #tpu.dot_dimension_numbers<[1], [0], [0], [1], [0, 0, 1, 1], [], []>, transpose_lhs_hint = false} : vector<8x128xf32>, vector<128x128xf32>, vector<8x128xf32> -> vector<8x128xf32>
    %slice3A_1080 = vector.extract_strided_slice %dot_general3A_1079 {offsets = [0, 0], sizes = [1, 128], strides = [1, 1]} : vector<8x128xf32> to vector<1x128xf32>
    %slice3A_1081 = vector.extract_strided_slice %exp3A_483 {offsets = [6, 0], sizes = [1, 128], strides = [1, 1]} : vector<8x128xf32> to vector<1x128xf32>
    %mul3A_1082 = arith.mulf %slice3A_1080, %slice3A_1081 : vector<1x128xf32>
    %slice3A_1083 = vector.extract_strided_slice %dot_general3A_1079 {offsets = [1, 0], sizes = [1, 128], strides = [1, 1]} : vector<8x128xf32> to vector<1x128xf32>
    %slice3A_1084 = vector.extract_strided_slice %exp3A_483 {offsets = [6, 0], sizes = [1, 128], strides = [1, 1]} : vector<8x128xf32> to vector<1x128xf32>
    %mul3A_1085 = arith.mulf %slice3A_1083, %slice3A_1084 : vector<1x128xf32>
    %slice3A_1086 = vector.extract_strided_slice %dot_general3A_1079 {offsets = [0, 0], sizes = [1, 128], strides = [1, 1]} : vector<8x128xf32> to vector<1x128xf32>
    %slice3A_1087 = vector.extract_strided_slice %mul3A_484 {offsets = [6, 0], sizes = [1, 128], strides = [1, 1]} : vector<8x128xf32> to vector<1x128xf32>
    %mul3A_1088 = arith.mulf %slice3A_1086, %slice3A_1087 : vector<1x128xf32>
    %get3A_1089 = arith.constant 23 : index
    %get3A_1090 = arith.constant 0 : index
    %get3A_1091 = memref.load %arg1[%get3A_1089, %get3A_1090] : memref<32x16xf32, #tpu.memory_space<smem>>
    %mul3A_1092 = arith.constant 1.200000e+02 : f32
    %mul3A_1093 = arith.mulf %mul3A_1092, %get3A_1091 : f32
    %mul3A_1094 = vector.broadcast %mul3A_1093 : f32 to vector<128x128xf32>
    %mul3A_1095 = arith.mulf %mul3A_1094, %get3A_912 : vector<128x128xf32>
    %add3A_1096 = arith.addf %sub3A_927, %mul3A_1095 : vector<128x128xf32>
    %slice3A_1097 = vector.extract_strided_slice %concatenate3A_348 {offsets = [7, 0], sizes = [1, 128], strides = [1, 1]} : vector<8x128xf32> to vector<1x128xf32>
    %sub3A_1098 = vector.broadcast %slice3A_1097 : vector<1x128xf32> to vector<128x128xf32>
    %sub3A_1099 = arith.subf %add3A_1096, %sub3A_1098 : vector<128x128xf32>
    %exp3A_1100 = math.exp %sub3A_1099 : vector<128x128xf32>
    %dot_general3A_1101 = arith.constant dense<0.000000e+00> : vector<8x128xf32>
    %dot_general3A_1102 = tpu.matmul %select_n3A_12, %exp3A_1100, %dot_general3A_1101 {dimension_numbers = #tpu.dot_dimension_numbers<[1], [0], [0], [1], [0, 0, 1, 1], [], []>, transpose_lhs_hint = false} : vector<8x128xf32>, vector<128x128xf32>, vector<8x128xf32> -> vector<8x128xf32>
    %slice3A_1103 = vector.extract_strided_slice %dot_general3A_1102 {offsets = [0, 0], sizes = [1, 128], strides = [1, 1]} : vector<8x128xf32> to vector<1x128xf32>
    %slice3A_1104 = vector.extract_strided_slice %exp3A_483 {offsets = [7, 0], sizes = [1, 128], strides = [1, 1]} : vector<8x128xf32> to vector<1x128xf32>
    %mul3A_1105 = arith.mulf %slice3A_1103, %slice3A_1104 : vector<1x128xf32>
    %slice3A_1106 = vector.extract_strided_slice %dot_general3A_1102 {offsets = [1, 0], sizes = [1, 128], strides = [1, 1]} : vector<8x128xf32> to vector<1x128xf32>
    %slice3A_1107 = vector.extract_strided_slice %exp3A_483 {offsets = [7, 0], sizes = [1, 128], strides = [1, 1]} : vector<8x128xf32> to vector<1x128xf32>
    %mul3A_1108 = arith.mulf %slice3A_1106, %slice3A_1107 : vector<1x128xf32>
    %slice3A_1109 = vector.extract_strided_slice %dot_general3A_1102 {offsets = [0, 0], sizes = [1, 128], strides = [1, 1]} : vector<8x128xf32> to vector<1x128xf32>
    %slice3A_1110 = vector.extract_strided_slice %mul3A_484 {offsets = [7, 0], sizes = [1, 128], strides = [1, 1]} : vector<8x128xf32> to vector<1x128xf32>
    %mul3A_1111 = arith.mulf %slice3A_1109, %slice3A_1110 : vector<1x128xf32>
    %concatenate3A_1112 = tpu.concatenate %mul3A_944, %mul3A_967, %mul3A_990, %mul3A_1013, %mul3A_1036, %mul3A_1059, %mul3A_1082, %mul3A_1105, %mul3A_947, %mul3A_970, %mul3A_993, %mul3A_1016, %mul3A_1039, %mul3A_1062, %mul3A_1085, %mul3A_1108, %mul3A_950, %mul3A_973, %mul3A_996, %mul3A_1019, %mul3A_1042, %mul3A_1065, %mul3A_1088, %mul3A_1111 in 0 : vector<1x128xf32>, vector<1x128xf32>, vector<1x128xf32>, vector<1x128xf32>, vector<1x128xf32>, vector<1x128xf32>, vector<1x128xf32>, vector<1x128xf32>, vector<1x128xf32>, vector<1x128xf32>, vector<1x128xf32>, vector<1x128xf32>, vector<1x128xf32>, vector<1x128xf32>, vector<1x128xf32>, vector<1x128xf32>, vector<1x128xf32>, vector<1x128xf32>, vector<1x128xf32>, vector<1x128xf32>, vector<1x128xf32>, vector<1x128xf32>, vector<1x128xf32>, vector<1x128xf32> -> vector<24x128xf32>
    %get3A_1113 = arith.constant 1 : index
    %get3A_1114 = arith.constant 1 : index
    %get3A_1115 = arith.constant 0 : index
    %get3A_1116 = arith.constant 0 : index
    %get3A_1117 = arith.constant 0 : index
    %get3A_1118 = vector.load %arg4[%get3A_1113, %get3A_1114, %get3A_1115, %get3A_1116, %get3A_1117] : memref<2x2x1x128x128xf32, #tpu.memory_space<vmem>>, vector<1x1x1x128x128xf32>
    %get3A_1119 = vector.shape_cast %get3A_1118 : vector<1x1x1x128x128xf32> to vector<128x128xf32>
    %get3A_1120 = arith.constant 1 : index
    %get3A_1121 = arith.constant 1 : index
    %get3A_1122 = arith.constant 0 : index
    %get3A_1123 = arith.constant 0 : index
    %get3A_1124 = arith.constant 0 : index
    %get3A_1125 = vector.load %arg3[%get3A_1120, %get3A_1121, %get3A_1122, %get3A_1123, %get3A_1124] : memref<2x2x1x128x128xf32, #tpu.memory_space<vmem>>, vector<1x1x1x128x128xf32>
    %get3A_1126 = vector.shape_cast %get3A_1125 : vector<1x1x1x128x128xf32> to vector<128x128xf32>
    %mul3A_1127 = arith.constant 3.000000e+01 : f32
    %mul3A_1128 = vector.broadcast %mul3A_1127 : f32 to vector<128x128xf32>
    %mul3A_1129 = arith.mulf %mul3A_1128, %get3A_1126 : vector<128x128xf32>
    %mul3A_1130 = arith.mulf %get3A_1119, %get3A_1119 : vector<128x128xf32>
    %mul3A_1131 = arith.constant 6.000000e+01 : f32
    %mul3A_1132 = vector.broadcast %mul3A_1131 : f32 to vector<128x128xf32>
    %mul3A_1133 = arith.mulf %mul3A_1132, %mul3A_1130 : vector<128x128xf32>
    %sub3A_1134 = arith.subf %mul3A_1129, %mul3A_1133 : vector<128x128xf32>
    %get3A_1135 = arith.constant 24 : index
    %get3A_1136 = arith.constant 0 : index
    %get3A_1137 = memref.load %arg1[%get3A_1135, %get3A_1136] : memref<32x16xf32, #tpu.memory_space<smem>>
    %mul3A_1138 = arith.constant 1.200000e+02 : f32
    %mul3A_1139 = arith.mulf %mul3A_1138, %get3A_1137 : f32
    %mul3A_1140 = vector.broadcast %mul3A_1139 : f32 to vector<128x128xf32>
    %mul3A_1141 = arith.mulf %mul3A_1140, %get3A_1119 : vector<128x128xf32>
    %add3A_1142 = arith.addf %sub3A_1134, %mul3A_1141 : vector<128x128xf32>
    %slice3A_1143 = vector.extract_strided_slice %concatenate3A_459 {offsets = [0, 0], sizes = [1, 128], strides = [1, 1]} : vector<8x128xf32> to vector<1x128xf32>
    %sub3A_1144 = vector.broadcast %slice3A_1143 : vector<1x128xf32> to vector<128x128xf32>
    %sub3A_1145 = arith.subf %add3A_1142, %sub3A_1144 : vector<128x128xf32>
    %exp3A_1146 = math.exp %sub3A_1145 : vector<128x128xf32>
    %dot_general3A_1147 = arith.constant dense<0.000000e+00> : vector<8x128xf32>
    %dot_general3A_1148 = tpu.matmul %select_n3A_12, %exp3A_1146, %dot_general3A_1147 {dimension_numbers = #tpu.dot_dimension_numbers<[1], [0], [0], [1], [0, 0, 1, 1], [], []>, transpose_lhs_hint = false} : vector<8x128xf32>, vector<128x128xf32>, vector<8x128xf32> -> vector<8x128xf32>
    %slice3A_1149 = vector.extract_strided_slice %dot_general3A_1148 {offsets = [0, 0], sizes = [1, 128], strides = [1, 1]} : vector<8x128xf32> to vector<1x128xf32>
    %slice3A_1150 = vector.extract_strided_slice %exp3A_492 {offsets = [0, 0], sizes = [1, 128], strides = [1, 1]} : vector<8x128xf32> to vector<1x128xf32>
    %mul3A_1151 = arith.mulf %slice3A_1149, %slice3A_1150 : vector<1x128xf32>
    %slice3A_1152 = vector.extract_strided_slice %dot_general3A_1148 {offsets = [1, 0], sizes = [1, 128], strides = [1, 1]} : vector<8x128xf32> to vector<1x128xf32>
    %slice3A_1153 = vector.extract_strided_slice %exp3A_492 {offsets = [0, 0], sizes = [1, 128], strides = [1, 1]} : vector<8x128xf32> to vector<1x128xf32>
    %mul3A_1154 = arith.mulf %slice3A_1152, %slice3A_1153 : vector<1x128xf32>
    %slice3A_1155 = vector.extract_strided_slice %dot_general3A_1148 {offsets = [0, 0], sizes = [1, 128], strides = [1, 1]} : vector<8x128xf32> to vector<1x128xf32>
    %slice3A_1156 = vector.extract_strided_slice %mul3A_493 {offsets = [0, 0], sizes = [1, 128], strides = [1, 1]} : vector<8x128xf32> to vector<1x128xf32>
    %mul3A_1157 = arith.mulf %slice3A_1155, %slice3A_1156 : vector<1x128xf32>
    %get3A_1158 = arith.constant 25 : index
    %get3A_1159 = arith.constant 0 : index
    %get3A_1160 = memref.load %arg1[%get3A_1158, %get3A_1159] : memref<32x16xf32, #tpu.memory_space<smem>>
    %mul3A_1161 = arith.constant 1.200000e+02 : f32
    %mul3A_1162 = arith.mulf %mul3A_1161, %get3A_1160 : f32
    %mul3A_1163 = vector.broadcast %mul3A_1162 : f32 to vector<128x128xf32>
    %mul3A_1164 = arith.mulf %mul3A_1163, %get3A_1119 : vector<128x128xf32>
    %add3A_1165 = arith.addf %sub3A_1134, %mul3A_1164 : vector<128x128xf32>
    %slice3A_1166 = vector.extract_strided_slice %concatenate3A_459 {offsets = [1, 0], sizes = [1, 128], strides = [1, 1]} : vector<8x128xf32> to vector<1x128xf32>
    %sub3A_1167 = vector.broadcast %slice3A_1166 : vector<1x128xf32> to vector<128x128xf32>
    %sub3A_1168 = arith.subf %add3A_1165, %sub3A_1167 : vector<128x128xf32>
    %exp3A_1169 = math.exp %sub3A_1168 : vector<128x128xf32>
    %dot_general3A_1170 = arith.constant dense<0.000000e+00> : vector<8x128xf32>
    %dot_general3A_1171 = tpu.matmul %select_n3A_12, %exp3A_1169, %dot_general3A_1170 {dimension_numbers = #tpu.dot_dimension_numbers<[1], [0], [0], [1], [0, 0, 1, 1], [], []>, transpose_lhs_hint = false} : vector<8x128xf32>, vector<128x128xf32>, vector<8x128xf32> -> vector<8x128xf32>
    %slice3A_1172 = vector.extract_strided_slice %dot_general3A_1171 {offsets = [0, 0], sizes = [1, 128], strides = [1, 1]} : vector<8x128xf32> to vector<1x128xf32>
    %slice3A_1173 = vector.extract_strided_slice %exp3A_492 {offsets = [1, 0], sizes = [1, 128], strides = [1, 1]} : vector<8x128xf32> to vector<1x128xf32>
    %mul3A_1174 = arith.mulf %slice3A_1172, %slice3A_1173 : vector<1x128xf32>
    %slice3A_1175 = vector.extract_strided_slice %dot_general3A_1171 {offsets = [1, 0], sizes = [1, 128], strides = [1, 1]} : vector<8x128xf32> to vector<1x128xf32>
    %slice3A_1176 = vector.extract_strided_slice %exp3A_492 {offsets = [1, 0], sizes = [1, 128], strides = [1, 1]} : vector<8x128xf32> to vector<1x128xf32>
    %mul3A_1177 = arith.mulf %slice3A_1175, %slice3A_1176 : vector<1x128xf32>
    %slice3A_1178 = vector.extract_strided_slice %dot_general3A_1171 {offsets = [0, 0], sizes = [1, 128], strides = [1, 1]} : vector<8x128xf32> to vector<1x128xf32>
    %slice3A_1179 = vector.extract_strided_slice %mul3A_493 {offsets = [1, 0], sizes = [1, 128], strides = [1, 1]} : vector<8x128xf32> to vector<1x128xf32>
    %mul3A_1180 = arith.mulf %slice3A_1178, %slice3A_1179 : vector<1x128xf32>
    %get3A_1181 = arith.constant 26 : index
    %get3A_1182 = arith.constant 0 : index
    %get3A_1183 = memref.load %arg1[%get3A_1181, %get3A_1182] : memref<32x16xf32, #tpu.memory_space<smem>>
    %mul3A_1184 = arith.constant 1.200000e+02 : f32
    %mul3A_1185 = arith.mulf %mul3A_1184, %get3A_1183 : f32
    %mul3A_1186 = vector.broadcast %mul3A_1185 : f32 to vector<128x128xf32>
    %mul3A_1187 = arith.mulf %mul3A_1186, %get3A_1119 : vector<128x128xf32>
    %add3A_1188 = arith.addf %sub3A_1134, %mul3A_1187 : vector<128x128xf32>
    %slice3A_1189 = vector.extract_strided_slice %concatenate3A_459 {offsets = [2, 0], sizes = [1, 128], strides = [1, 1]} : vector<8x128xf32> to vector<1x128xf32>
    %sub3A_1190 = vector.broadcast %slice3A_1189 : vector<1x128xf32> to vector<128x128xf32>
    %sub3A_1191 = arith.subf %add3A_1188, %sub3A_1190 : vector<128x128xf32>
    %exp3A_1192 = math.exp %sub3A_1191 : vector<128x128xf32>
    %dot_general3A_1193 = arith.constant dense<0.000000e+00> : vector<8x128xf32>
    %dot_general3A_1194 = tpu.matmul %select_n3A_12, %exp3A_1192, %dot_general3A_1193 {dimension_numbers = #tpu.dot_dimension_numbers<[1], [0], [0], [1], [0, 0, 1, 1], [], []>, transpose_lhs_hint = false} : vector<8x128xf32>, vector<128x128xf32>, vector<8x128xf32> -> vector<8x128xf32>
    %slice3A_1195 = vector.extract_strided_slice %dot_general3A_1194 {offsets = [0, 0], sizes = [1, 128], strides = [1, 1]} : vector<8x128xf32> to vector<1x128xf32>
    %slice3A_1196 = vector.extract_strided_slice %exp3A_492 {offsets = [2, 0], sizes = [1, 128], strides = [1, 1]} : vector<8x128xf32> to vector<1x128xf32>
    %mul3A_1197 = arith.mulf %slice3A_1195, %slice3A_1196 : vector<1x128xf32>
    %slice3A_1198 = vector.extract_strided_slice %dot_general3A_1194 {offsets = [1, 0], sizes = [1, 128], strides = [1, 1]} : vector<8x128xf32> to vector<1x128xf32>
    %slice3A_1199 = vector.extract_strided_slice %exp3A_492 {offsets = [2, 0], sizes = [1, 128], strides = [1, 1]} : vector<8x128xf32> to vector<1x128xf32>
    %mul3A_1200 = arith.mulf %slice3A_1198, %slice3A_1199 : vector<1x128xf32>
    %slice3A_1201 = vector.extract_strided_slice %dot_general3A_1194 {offsets = [0, 0], sizes = [1, 128], strides = [1, 1]} : vector<8x128xf32> to vector<1x128xf32>
    %slice3A_1202 = vector.extract_strided_slice %mul3A_493 {offsets = [2, 0], sizes = [1, 128], strides = [1, 1]} : vector<8x128xf32> to vector<1x128xf32>
    %mul3A_1203 = arith.mulf %slice3A_1201, %slice3A_1202 : vector<1x128xf32>
    %get3A_1204 = arith.constant 27 : index
    %get3A_1205 = arith.constant 0 : index
    %get3A_1206 = memref.load %arg1[%get3A_1204, %get3A_1205] : memref<32x16xf32, #tpu.memory_space<smem>>
    %mul3A_1207 = arith.constant 1.200000e+02 : f32
    %mul3A_1208 = arith.mulf %mul3A_1207, %get3A_1206 : f32
    %mul3A_1209 = vector.broadcast %mul3A_1208 : f32 to vector<128x128xf32>
    %mul3A_1210 = arith.mulf %mul3A_1209, %get3A_1119 : vector<128x128xf32>
    %add3A_1211 = arith.addf %sub3A_1134, %mul3A_1210 : vector<128x128xf32>
    %slice3A_1212 = vector.extract_strided_slice %concatenate3A_459 {offsets = [3, 0], sizes = [1, 128], strides = [1, 1]} : vector<8x128xf32> to vector<1x128xf32>
    %sub3A_1213 = vector.broadcast %slice3A_1212 : vector<1x128xf32> to vector<128x128xf32>
    %sub3A_1214 = arith.subf %add3A_1211, %sub3A_1213 : vector<128x128xf32>
    %exp3A_1215 = math.exp %sub3A_1214 : vector<128x128xf32>
    %dot_general3A_1216 = arith.constant dense<0.000000e+00> : vector<8x128xf32>
    %dot_general3A_1217 = tpu.matmul %select_n3A_12, %exp3A_1215, %dot_general3A_1216 {dimension_numbers = #tpu.dot_dimension_numbers<[1], [0], [0], [1], [0, 0, 1, 1], [], []>, transpose_lhs_hint = false} : vector<8x128xf32>, vector<128x128xf32>, vector<8x128xf32> -> vector<8x128xf32>
    %slice3A_1218 = vector.extract_strided_slice %dot_general3A_1217 {offsets = [0, 0], sizes = [1, 128], strides = [1, 1]} : vector<8x128xf32> to vector<1x128xf32>
    %slice3A_1219 = vector.extract_strided_slice %exp3A_492 {offsets = [3, 0], sizes = [1, 128], strides = [1, 1]} : vector<8x128xf32> to vector<1x128xf32>
    %mul3A_1220 = arith.mulf %slice3A_1218, %slice3A_1219 : vector<1x128xf32>
    %slice3A_1221 = vector.extract_strided_slice %dot_general3A_1217 {offsets = [1, 0], sizes = [1, 128], strides = [1, 1]} : vector<8x128xf32> to vector<1x128xf32>
    %slice3A_1222 = vector.extract_strided_slice %exp3A_492 {offsets = [3, 0], sizes = [1, 128], strides = [1, 1]} : vector<8x128xf32> to vector<1x128xf32>
    %mul3A_1223 = arith.mulf %slice3A_1221, %slice3A_1222 : vector<1x128xf32>
    %slice3A_1224 = vector.extract_strided_slice %dot_general3A_1217 {offsets = [0, 0], sizes = [1, 128], strides = [1, 1]} : vector<8x128xf32> to vector<1x128xf32>
    %slice3A_1225 = vector.extract_strided_slice %mul3A_493 {offsets = [3, 0], sizes = [1, 128], strides = [1, 1]} : vector<8x128xf32> to vector<1x128xf32>
    %mul3A_1226 = arith.mulf %slice3A_1224, %slice3A_1225 : vector<1x128xf32>
    %get3A_1227 = arith.constant 28 : index
    %get3A_1228 = arith.constant 0 : index
    %get3A_1229 = memref.load %arg1[%get3A_1227, %get3A_1228] : memref<32x16xf32, #tpu.memory_space<smem>>
    %mul3A_1230 = arith.constant 1.200000e+02 : f32
    %mul3A_1231 = arith.mulf %mul3A_1230, %get3A_1229 : f32
    %mul3A_1232 = vector.broadcast %mul3A_1231 : f32 to vector<128x128xf32>
    %mul3A_1233 = arith.mulf %mul3A_1232, %get3A_1119 : vector<128x128xf32>
    %add3A_1234 = arith.addf %sub3A_1134, %mul3A_1233 : vector<128x128xf32>
    %slice3A_1235 = vector.extract_strided_slice %concatenate3A_459 {offsets = [4, 0], sizes = [1, 128], strides = [1, 1]} : vector<8x128xf32> to vector<1x128xf32>
    %sub3A_1236 = vector.broadcast %slice3A_1235 : vector<1x128xf32> to vector<128x128xf32>
    %sub3A_1237 = arith.subf %add3A_1234, %sub3A_1236 : vector<128x128xf32>
    %exp3A_1238 = math.exp %sub3A_1237 : vector<128x128xf32>
    %dot_general3A_1239 = arith.constant dense<0.000000e+00> : vector<8x128xf32>
    %dot_general3A_1240 = tpu.matmul %select_n3A_12, %exp3A_1238, %dot_general3A_1239 {dimension_numbers = #tpu.dot_dimension_numbers<[1], [0], [0], [1], [0, 0, 1, 1], [], []>, transpose_lhs_hint = false} : vector<8x128xf32>, vector<128x128xf32>, vector<8x128xf32> -> vector<8x128xf32>
    %slice3A_1241 = vector.extract_strided_slice %dot_general3A_1240 {offsets = [0, 0], sizes = [1, 128], strides = [1, 1]} : vector<8x128xf32> to vector<1x128xf32>
    %slice3A_1242 = vector.extract_strided_slice %exp3A_492 {offsets = [4, 0], sizes = [1, 128], strides = [1, 1]} : vector<8x128xf32> to vector<1x128xf32>
    %mul3A_1243 = arith.mulf %slice3A_1241, %slice3A_1242 : vector<1x128xf32>
    %slice3A_1244 = vector.extract_strided_slice %dot_general3A_1240 {offsets = [1, 0], sizes = [1, 128], strides = [1, 1]} : vector<8x128xf32> to vector<1x128xf32>
    %slice3A_1245 = vector.extract_strided_slice %exp3A_492 {offsets = [4, 0], sizes = [1, 128], strides = [1, 1]} : vector<8x128xf32> to vector<1x128xf32>
    %mul3A_1246 = arith.mulf %slice3A_1244, %slice3A_1245 : vector<1x128xf32>
    %slice3A_1247 = vector.extract_strided_slice %dot_general3A_1240 {offsets = [0, 0], sizes = [1, 128], strides = [1, 1]} : vector<8x128xf32> to vector<1x128xf32>
    %slice3A_1248 = vector.extract_strided_slice %mul3A_493 {offsets = [4, 0], sizes = [1, 128], strides = [1, 1]} : vector<8x128xf32> to vector<1x128xf32>
    %mul3A_1249 = arith.mulf %slice3A_1247, %slice3A_1248 : vector<1x128xf32>
    %get3A_1250 = arith.constant 29 : index
    %get3A_1251 = arith.constant 0 : index
    %get3A_1252 = memref.load %arg1[%get3A_1250, %get3A_1251] : memref<32x16xf32, #tpu.memory_space<smem>>
    %mul3A_1253 = arith.constant 1.200000e+02 : f32
    %mul3A_1254 = arith.mulf %mul3A_1253, %get3A_1252 : f32
    %mul3A_1255 = vector.broadcast %mul3A_1254 : f32 to vector<128x128xf32>
    %mul3A_1256 = arith.mulf %mul3A_1255, %get3A_1119 : vector<128x128xf32>
    %add3A_1257 = arith.addf %sub3A_1134, %mul3A_1256 : vector<128x128xf32>
    %slice3A_1258 = vector.extract_strided_slice %concatenate3A_459 {offsets = [5, 0], sizes = [1, 128], strides = [1, 1]} : vector<8x128xf32> to vector<1x128xf32>
    %sub3A_1259 = vector.broadcast %slice3A_1258 : vector<1x128xf32> to vector<128x128xf32>
    %sub3A_1260 = arith.subf %add3A_1257, %sub3A_1259 : vector<128x128xf32>
    %exp3A_1261 = math.exp %sub3A_1260 : vector<128x128xf32>
    %dot_general3A_1262 = arith.constant dense<0.000000e+00> : vector<8x128xf32>
    %dot_general3A_1263 = tpu.matmul %select_n3A_12, %exp3A_1261, %dot_general3A_1262 {dimension_numbers = #tpu.dot_dimension_numbers<[1], [0], [0], [1], [0, 0, 1, 1], [], []>, transpose_lhs_hint = false} : vector<8x128xf32>, vector<128x128xf32>, vector<8x128xf32> -> vector<8x128xf32>
    %slice3A_1264 = vector.extract_strided_slice %dot_general3A_1263 {offsets = [0, 0], sizes = [1, 128], strides = [1, 1]} : vector<8x128xf32> to vector<1x128xf32>
    %slice3A_1265 = vector.extract_strided_slice %exp3A_492 {offsets = [5, 0], sizes = [1, 128], strides = [1, 1]} : vector<8x128xf32> to vector<1x128xf32>
    %mul3A_1266 = arith.mulf %slice3A_1264, %slice3A_1265 : vector<1x128xf32>
    %slice3A_1267 = vector.extract_strided_slice %dot_general3A_1263 {offsets = [1, 0], sizes = [1, 128], strides = [1, 1]} : vector<8x128xf32> to vector<1x128xf32>
    %slice3A_1268 = vector.extract_strided_slice %exp3A_492 {offsets = [5, 0], sizes = [1, 128], strides = [1, 1]} : vector<8x128xf32> to vector<1x128xf32>
    %mul3A_1269 = arith.mulf %slice3A_1267, %slice3A_1268 : vector<1x128xf32>
    %slice3A_1270 = vector.extract_strided_slice %dot_general3A_1263 {offsets = [0, 0], sizes = [1, 128], strides = [1, 1]} : vector<8x128xf32> to vector<1x128xf32>
    %slice3A_1271 = vector.extract_strided_slice %mul3A_493 {offsets = [5, 0], sizes = [1, 128], strides = [1, 1]} : vector<8x128xf32> to vector<1x128xf32>
    %mul3A_1272 = arith.mulf %slice3A_1270, %slice3A_1271 : vector<1x128xf32>
    %get3A_1273 = arith.constant 30 : index
    %get3A_1274 = arith.constant 0 : index
    %get3A_1275 = memref.load %arg1[%get3A_1273, %get3A_1274] : memref<32x16xf32, #tpu.memory_space<smem>>
    %mul3A_1276 = arith.constant 1.200000e+02 : f32
    %mul3A_1277 = arith.mulf %mul3A_1276, %get3A_1275 : f32
    %mul3A_1278 = vector.broadcast %mul3A_1277 : f32 to vector<128x128xf32>
    %mul3A_1279 = arith.mulf %mul3A_1278, %get3A_1119 : vector<128x128xf32>
    %add3A_1280 = arith.addf %sub3A_1134, %mul3A_1279 : vector<128x128xf32>
    %slice3A_1281 = vector.extract_strided_slice %concatenate3A_459 {offsets = [6, 0], sizes = [1, 128], strides = [1, 1]} : vector<8x128xf32> to vector<1x128xf32>
    %sub3A_1282 = vector.broadcast %slice3A_1281 : vector<1x128xf32> to vector<128x128xf32>
    %sub3A_1283 = arith.subf %add3A_1280, %sub3A_1282 : vector<128x128xf32>
    %exp3A_1284 = math.exp %sub3A_1283 : vector<128x128xf32>
    %dot_general3A_1285 = arith.constant dense<0.000000e+00> : vector<8x128xf32>
    %dot_general3A_1286 = tpu.matmul %select_n3A_12, %exp3A_1284, %dot_general3A_1285 {dimension_numbers = #tpu.dot_dimension_numbers<[1], [0], [0], [1], [0, 0, 1, 1], [], []>, transpose_lhs_hint = false} : vector<8x128xf32>, vector<128x128xf32>, vector<8x128xf32> -> vector<8x128xf32>
    %slice3A_1287 = vector.extract_strided_slice %dot_general3A_1286 {offsets = [0, 0], sizes = [1, 128], strides = [1, 1]} : vector<8x128xf32> to vector<1x128xf32>
    %slice3A_1288 = vector.extract_strided_slice %exp3A_492 {offsets = [6, 0], sizes = [1, 128], strides = [1, 1]} : vector<8x128xf32> to vector<1x128xf32>
    %mul3A_1289 = arith.mulf %slice3A_1287, %slice3A_1288 : vector<1x128xf32>
    %slice3A_1290 = vector.extract_strided_slice %dot_general3A_1286 {offsets = [1, 0], sizes = [1, 128], strides = [1, 1]} : vector<8x128xf32> to vector<1x128xf32>
    %slice3A_1291 = vector.extract_strided_slice %exp3A_492 {offsets = [6, 0], sizes = [1, 128], strides = [1, 1]} : vector<8x128xf32> to vector<1x128xf32>
    %mul3A_1292 = arith.mulf %slice3A_1290, %slice3A_1291 : vector<1x128xf32>
    %slice3A_1293 = vector.extract_strided_slice %dot_general3A_1286 {offsets = [0, 0], sizes = [1, 128], strides = [1, 1]} : vector<8x128xf32> to vector<1x128xf32>
    %slice3A_1294 = vector.extract_strided_slice %mul3A_493 {offsets = [6, 0], sizes = [1, 128], strides = [1, 1]} : vector<8x128xf32> to vector<1x128xf32>
    %mul3A_1295 = arith.mulf %slice3A_1293, %slice3A_1294 : vector<1x128xf32>
    %get3A_1296 = arith.constant 31 : index
    %get3A_1297 = arith.constant 0 : index
    %get3A_1298 = memref.load %arg1[%get3A_1296, %get3A_1297] : memref<32x16xf32, #tpu.memory_space<smem>>
    %mul3A_1299 = arith.constant 1.200000e+02 : f32
    %mul3A_1300 = arith.mulf %mul3A_1299, %get3A_1298 : f32
    %mul3A_1301 = vector.broadcast %mul3A_1300 : f32 to vector<128x128xf32>
    %mul3A_1302 = arith.mulf %mul3A_1301, %get3A_1119 : vector<128x128xf32>
    %add3A_1303 = arith.addf %sub3A_1134, %mul3A_1302 : vector<128x128xf32>
    %slice3A_1304 = vector.extract_strided_slice %concatenate3A_459 {offsets = [7, 0], sizes = [1, 128], strides = [1, 1]} : vector<8x128xf32> to vector<1x128xf32>
    %sub3A_1305 = vector.broadcast %slice3A_1304 : vector<1x128xf32> to vector<128x128xf32>
    %sub3A_1306 = arith.subf %add3A_1303, %sub3A_1305 : vector<128x128xf32>
    %exp3A_1307 = math.exp %sub3A_1306 : vector<128x128xf32>
    %dot_general3A_1308 = arith.constant dense<0.000000e+00> : vector<8x128xf32>
    %dot_general3A_1309 = tpu.matmul %select_n3A_12, %exp3A_1307, %dot_general3A_1308 {dimension_numbers = #tpu.dot_dimension_numbers<[1], [0], [0], [1], [0, 0, 1, 1], [], []>, transpose_lhs_hint = false} : vector<8x128xf32>, vector<128x128xf32>, vector<8x128xf32> -> vector<8x128xf32>
    %slice3A_1310 = vector.extract_strided_slice %dot_general3A_1309 {offsets = [0, 0], sizes = [1, 128], strides = [1, 1]} : vector<8x128xf32> to vector<1x128xf32>
    %slice3A_1311 = vector.extract_strided_slice %exp3A_492 {offsets = [7, 0], sizes = [1, 128], strides = [1, 1]} : vector<8x128xf32> to vector<1x128xf32>
    %mul3A_1312 = arith.mulf %slice3A_1310, %slice3A_1311 : vector<1x128xf32>
    %slice3A_1313 = vector.extract_strided_slice %dot_general3A_1309 {offsets = [1, 0], sizes = [1, 128], strides = [1, 1]} : vector<8x128xf32> to vector<1x128xf32>
    %slice3A_1314 = vector.extract_strided_slice %exp3A_492 {offsets = [7, 0], sizes = [1, 128], strides = [1, 1]} : vector<8x128xf32> to vector<1x128xf32>
    %mul3A_1315 = arith.mulf %slice3A_1313, %slice3A_1314 : vector<1x128xf32>
    %slice3A_1316 = vector.extract_strided_slice %dot_general3A_1309 {offsets = [0, 0], sizes = [1, 128], strides = [1, 1]} : vector<8x128xf32> to vector<1x128xf32>
    %slice3A_1317 = vector.extract_strided_slice %mul3A_493 {offsets = [7, 0], sizes = [1, 128], strides = [1, 1]} : vector<8x128xf32> to vector<1x128xf32>
    %mul3A_1318 = arith.mulf %slice3A_1316, %slice3A_1317 : vector<1x128xf32>
    %concatenate3A_1319 = tpu.concatenate %mul3A_1151, %mul3A_1174, %mul3A_1197, %mul3A_1220, %mul3A_1243, %mul3A_1266, %mul3A_1289, %mul3A_1312, %mul3A_1154, %mul3A_1177, %mul3A_1200, %mul3A_1223, %mul3A_1246, %mul3A_1269, %mul3A_1292, %mul3A_1315, %mul3A_1157, %mul3A_1180, %mul3A_1203, %mul3A_1226, %mul3A_1249, %mul3A_1272, %mul3A_1295, %mul3A_1318 in 0 : vector<1x128xf32>, vector<1x128xf32>, vector<1x128xf32>, vector<1x128xf32>, vector<1x128xf32>, vector<1x128xf32>, vector<1x128xf32>, vector<1x128xf32>, vector<1x128xf32>, vector<1x128xf32>, vector<1x128xf32>, vector<1x128xf32>, vector<1x128xf32>, vector<1x128xf32>, vector<1x128xf32>, vector<1x128xf32>, vector<1x128xf32>, vector<1x128xf32>, vector<1x128xf32>, vector<1x128xf32>, vector<1x128xf32>, vector<1x128xf32>, vector<1x128xf32>, vector<1x128xf32> -> vector<24x128xf32>
    %dot_general3A_1320 = arith.constant dense<0.000000e+00> : vector<24x8xf32>
    %dot_general3A_1321 = tpu.matmul %concatenate3A_698, %broadcast_in_dim3A_16, %dot_general3A_1320 {dimension_numbers = #tpu.dot_dimension_numbers<[1], [0], [0], [1], [0, 0, 1, 1], [], []>, transpose_lhs_hint = false} : vector<24x128xf32>, vector<128x8xf32>, vector<24x8xf32> -> vector<24x8xf32>
    %transpose3A_1322 = tpu.transpose %dot_general3A_1321, [1, 0] : vector<24x8xf32> -> vector<8x24xf32>
    %slice3A_1323 = vector.extract_strided_slice %transpose3A_1322 {offsets = [0, 0], sizes = [1, 8], strides = [1, 1]} : vector<8x24xf32> to vector<1x8xf32>
    %max3A = arith.constant 1.000000e-30 : f32
    %max3A_1324 = vector.broadcast %max3A : f32 to vector<1x8xf32>
    %max3A_1325 = arith.maximumf %slice3A_1323, %max3A_1324 : vector<1x8xf32>
    %slice3A_1326 = vector.extract_strided_slice %transpose3A_1322 {offsets = [0, 8], sizes = [1, 8], strides = [1, 1]} : vector<8x24xf32> to vector<1x8xf32>
    %slice3A_1327 = vector.extract_strided_slice %transpose3A_1322 {offsets = [0, 16], sizes = [1, 8], strides = [1, 1]} : vector<8x24xf32> to vector<1x8xf32>
    %div3A = arith.divf %slice3A_1327, %max3A_1325 : vector<1x8xf32>
    %div3A_1328 = arith.divf %slice3A_1326, %max3A_1325 : vector<1x8xf32>
    %slice3A_1329 = vector.extract_strided_slice %get3A_20 {offsets = [0, 0], sizes = [1, 8], strides = [1, 1]} : vector<8x128xf32> to vector<1x8xf32>
    %slice3A_1330 = vector.extract_strided_slice %get3A_20 {offsets = [1, 0], sizes = [1, 8], strides = [1, 1]} : vector<8x128xf32> to vector<1x8xf32>
    %slice3A_1331 = vector.extract_strided_slice %get3A_20 {offsets = [2, 0], sizes = [1, 8], strides = [1, 1]} : vector<8x128xf32> to vector<1x8xf32>
    %gt3A = arith.constant 0.000000e+00 : f32
    %gt3A_1332 = vector.broadcast %gt3A : f32 to vector<1x8xf32>
    %gt3A_1333 = arith.cmpf ogt, %slice3A_1331, %gt3A_1332 : vector<1x8xf32>
    %jit3A_1334 = arith.constant 1.000000e+00 : f32
    %jit3A_1335 = arith.constant 0.000000e+00 : f32
    %broadcast_in_dim3A_1336 = vector.broadcast %jit3A_1334 : f32 to vector<1x8xf32>
    %broadcast_in_dim3A_1337 = vector.broadcast %jit3A_1335 : f32 to vector<1x8xf32>
    %select_n3A_1338 = arith.select %gt3A_1333, %broadcast_in_dim3A_1336, %broadcast_in_dim3A_1337 : vector<1x8xi1>, vector<1x8xf32>
    %sub3A_1339 = arith.subf %slice3A_1329, %div3A : vector<1x8xf32>
    %sub3A_1340 = arith.subf %slice3A_1330, %div3A_1328 : vector<1x8xf32>
    %mul3A_1341 = arith.mulf %sub3A_1339, %sub3A_1339 : vector<1x8xf32>
    %mul3A_1342 = arith.mulf %sub3A_1340, %sub3A_1340 : vector<1x8xf32>
    %add3A_1343 = arith.addf %mul3A_1341, %mul3A_1342 : vector<1x8xf32>
    %mul3A_1344 = arith.mulf %select_n3A_1338, %add3A_1343 : vector<1x8xf32>
    %get3A_1345 = arith.constant 0 : index
    %get3A_1346 = arith.constant 0 : index
    %get3A_1347 = vector.load %arg6[%get3A_1345, %get3A_1346] : memref<4x8xf32, #tpu.memory_space<vmem>>, vector<1x8xf32>
    %add3A_1348 = arith.addf %get3A_1347, %mul3A_1344 : vector<1x8xf32>
    %swap3A = arith.constant 0 : index
    %swap3A_1349 = arith.constant 0 : index
    %swap3A_1350 = vector.load %arg6[%swap3A, %swap3A_1349] : memref<4x8xf32, #tpu.memory_space<vmem>>, vector<1x8xf32>
    tpu.vector_store %arg6[%swap3A, %swap3A_1349], %add3A_1348 {strides = array<i32>} : memref<4x8xf32, #tpu.memory_space<vmem>>, vector<1x8xf32>,
    %get3A_1351 = arith.constant 1 : index
    %get3A_1352 = arith.constant 0 : index
    %get3A_1353 = vector.load %arg6[%get3A_1351, %get3A_1352] : memref<4x8xf32, #tpu.memory_space<vmem>>, vector<1x8xf32>
    %add3A_1354 = arith.addf %get3A_1353, %select_n3A_1338 : vector<1x8xf32>
    %swap3A_1355 = arith.constant 1 : index
    %swap3A_1356 = arith.constant 0 : index
    %swap3A_1357 = vector.load %arg6[%swap3A_1355, %swap3A_1356] : memref<4x8xf32, #tpu.memory_space<vmem>>, vector<1x8xf32>
    tpu.vector_store %arg6[%swap3A_1355, %swap3A_1356], %add3A_1354 {strides = array<i32>} : memref<4x8xf32, #tpu.memory_space<vmem>>, vector<1x8xf32>,
    %dot_general3A_1358 = arith.constant dense<0.000000e+00> : vector<24x8xf32>
    %dot_general3A_1359 = tpu.matmul %concatenate3A_905, %broadcast_in_dim3A_16, %dot_general3A_1358 {dimension_numbers = #tpu.dot_dimension_numbers<[1], [0], [0], [1], [0, 0, 1, 1], [], []>, transpose_lhs_hint = false} : vector<24x128xf32>, vector<128x8xf32>, vector<24x8xf32> -> vector<24x8xf32>
    %transpose3A_1360 = tpu.transpose %dot_general3A_1359, [1, 0] : vector<24x8xf32> -> vector<8x24xf32>
    %slice3A_1361 = vector.extract_strided_slice %transpose3A_1360 {offsets = [0, 0], sizes = [1, 8], strides = [1, 1]} : vector<8x24xf32> to vector<1x8xf32>
    %max3A_1362 = arith.constant 1.000000e-30 : f32
    %max3A_1363 = vector.broadcast %max3A_1362 : f32 to vector<1x8xf32>
    %max3A_1364 = arith.maximumf %slice3A_1361, %max3A_1363 : vector<1x8xf32>
    %slice3A_1365 = vector.extract_strided_slice %transpose3A_1360 {offsets = [0, 8], sizes = [1, 8], strides = [1, 1]} : vector<8x24xf32> to vector<1x8xf32>
    %slice3A_1366 = vector.extract_strided_slice %transpose3A_1360 {offsets = [0, 16], sizes = [1, 8], strides = [1, 1]} : vector<8x24xf32> to vector<1x8xf32>
    %div3A_1367 = arith.divf %slice3A_1366, %max3A_1364 : vector<1x8xf32>
    %div3A_1368 = arith.divf %slice3A_1365, %max3A_1364 : vector<1x8xf32>
    %slice3A_1369 = vector.extract_strided_slice %get3A_20 {offsets = [0, 0], sizes = [1, 8], strides = [1, 1]} : vector<8x128xf32> to vector<1x8xf32>
    %slice3A_1370 = vector.extract_strided_slice %get3A_20 {offsets = [1, 0], sizes = [1, 8], strides = [1, 1]} : vector<8x128xf32> to vector<1x8xf32>
    %slice3A_1371 = vector.extract_strided_slice %get3A_20 {offsets = [2, 0], sizes = [1, 8], strides = [1, 1]} : vector<8x128xf32> to vector<1x8xf32>
    %gt3A_1372 = arith.constant 0.000000e+00 : f32
    %gt3A_1373 = vector.broadcast %gt3A_1372 : f32 to vector<1x8xf32>
    %gt3A_1374 = arith.cmpf ogt, %slice3A_1371, %gt3A_1373 : vector<1x8xf32>
    %jit3A_1375 = arith.constant 1.000000e+00 : f32
    %jit3A_1376 = arith.constant 0.000000e+00 : f32
    %broadcast_in_dim3A_1377 = vector.broadcast %jit3A_1375 : f32 to vector<1x8xf32>
    %broadcast_in_dim3A_1378 = vector.broadcast %jit3A_1376 : f32 to vector<1x8xf32>
    %select_n3A_1379 = arith.select %gt3A_1374, %broadcast_in_dim3A_1377, %broadcast_in_dim3A_1378 : vector<1x8xi1>, vector<1x8xf32>
    %sub3A_1380 = arith.subf %slice3A_1369, %div3A_1367 : vector<1x8xf32>
    %sub3A_1381 = arith.subf %slice3A_1370, %div3A_1368 : vector<1x8xf32>
    %mul3A_1382 = arith.mulf %sub3A_1380, %sub3A_1380 : vector<1x8xf32>
    %mul3A_1383 = arith.mulf %sub3A_1381, %sub3A_1381 : vector<1x8xf32>
    %add3A_1384 = arith.addf %mul3A_1382, %mul3A_1383 : vector<1x8xf32>
    %mul3A_1385 = arith.mulf %select_n3A_1379, %add3A_1384 : vector<1x8xf32>
    %get3A_1386 = arith.constant 0 : index
    %get3A_1387 = arith.constant 0 : index
    %get3A_1388 = vector.load %arg6[%get3A_1386, %get3A_1387] : memref<4x8xf32, #tpu.memory_space<vmem>>, vector<1x8xf32>
    %add3A_1389 = arith.addf %get3A_1388, %mul3A_1385 : vector<1x8xf32>
    %swap3A_1390 = arith.constant 0 : index
    %swap3A_1391 = arith.constant 0 : index
    %swap3A_1392 = vector.load %arg6[%swap3A_1390, %swap3A_1391] : memref<4x8xf32, #tpu.memory_space<vmem>>, vector<1x8xf32>
    tpu.vector_store %arg6[%swap3A_1390, %swap3A_1391], %add3A_1389 {strides = array<i32>} : memref<4x8xf32, #tpu.memory_space<vmem>>, vector<1x8xf32>,
    %get3A_1393 = arith.constant 1 : index
    %get3A_1394 = arith.constant 0 : index
    %get3A_1395 = vector.load %arg6[%get3A_1393, %get3A_1394] : memref<4x8xf32, #tpu.memory_space<vmem>>, vector<1x8xf32>
    %add3A_1396 = arith.addf %get3A_1395, %select_n3A_1379 : vector<1x8xf32>
    %swap3A_1397 = arith.constant 1 : index
    %swap3A_1398 = arith.constant 0 : index
    %swap3A_1399 = vector.load %arg6[%swap3A_1397, %swap3A_1398] : memref<4x8xf32, #tpu.memory_space<vmem>>, vector<1x8xf32>
    tpu.vector_store %arg6[%swap3A_1397, %swap3A_1398], %add3A_1396 {strides = array<i32>} : memref<4x8xf32, #tpu.memory_space<vmem>>, vector<1x8xf32>,
    %dot_general3A_1400 = arith.constant dense<0.000000e+00> : vector<24x8xf32>
    %dot_general3A_1401 = tpu.matmul %concatenate3A_1112, %broadcast_in_dim3A_16, %dot_general3A_1400 {dimension_numbers = #tpu.dot_dimension_numbers<[1], [0], [0], [1], [0, 0, 1, 1], [], []>, transpose_lhs_hint = false} : vector<24x128xf32>, vector<128x8xf32>, vector<24x8xf32> -> vector<24x8xf32>
    %transpose3A_1402 = tpu.transpose %dot_general3A_1401, [1, 0] : vector<24x8xf32> -> vector<8x24xf32>
    %slice3A_1403 = vector.extract_strided_slice %transpose3A_1402 {offsets = [0, 0], sizes = [1, 8], strides = [1, 1]} : vector<8x24xf32> to vector<1x8xf32>
    %max3A_1404 = arith.constant 1.000000e-30 : f32
    %max3A_1405 = vector.broadcast %max3A_1404 : f32 to vector<1x8xf32>
    %max3A_1406 = arith.maximumf %slice3A_1403, %max3A_1405 : vector<1x8xf32>
    %slice3A_1407 = vector.extract_strided_slice %transpose3A_1402 {offsets = [0, 8], sizes = [1, 8], strides = [1, 1]} : vector<8x24xf32> to vector<1x8xf32>
    %slice3A_1408 = vector.extract_strided_slice %transpose3A_1402 {offsets = [0, 16], sizes = [1, 8], strides = [1, 1]} : vector<8x24xf32> to vector<1x8xf32>
    %div3A_1409 = arith.divf %slice3A_1408, %max3A_1406 : vector<1x8xf32>
    %div3A_1410 = arith.divf %slice3A_1407, %max3A_1406 : vector<1x8xf32>
    %slice3A_1411 = vector.extract_strided_slice %get3A_20 {offsets = [3, 0], sizes = [1, 8], strides = [1, 1]} : vector<8x128xf32> to vector<1x8xf32>
    %slice3A_1412 = vector.extract_strided_slice %get3A_20 {offsets = [4, 0], sizes = [1, 8], strides = [1, 1]} : vector<8x128xf32> to vector<1x8xf32>
    %slice3A_1413 = vector.extract_strided_slice %get3A_20 {offsets = [5, 0], sizes = [1, 8], strides = [1, 1]} : vector<8x128xf32> to vector<1x8xf32>
    %gt3A_1414 = arith.constant 0.000000e+00 : f32
    %gt3A_1415 = vector.broadcast %gt3A_1414 : f32 to vector<1x8xf32>
    %gt3A_1416 = arith.cmpf ogt, %slice3A_1413, %gt3A_1415 : vector<1x8xf32>
    %jit3A_1417 = arith.constant 1.000000e+00 : f32
    %jit3A_1418 = arith.constant 0.000000e+00 : f32
    %broadcast_in_dim3A_1419 = vector.broadcast %jit3A_1417 : f32 to vector<1x8xf32>
    %broadcast_in_dim3A_1420 = vector.broadcast %jit3A_1418 : f32 to vector<1x8xf32>
    %select_n3A_1421 = arith.select %gt3A_1416, %broadcast_in_dim3A_1419, %broadcast_in_dim3A_1420 : vector<1x8xi1>, vector<1x8xf32>
    %sub3A_1422 = arith.subf %slice3A_1411, %div3A_1409 : vector<1x8xf32>
    %sub3A_1423 = arith.subf %slice3A_1412, %div3A_1410 : vector<1x8xf32>
    %mul3A_1424 = arith.mulf %sub3A_1422, %sub3A_1422 : vector<1x8xf32>
    %mul3A_1425 = arith.mulf %sub3A_1423, %sub3A_1423 : vector<1x8xf32>
    %add3A_1426 = arith.addf %mul3A_1424, %mul3A_1425 : vector<1x8xf32>
    %mul3A_1427 = arith.mulf %select_n3A_1421, %add3A_1426 : vector<1x8xf32>
    %get3A_1428 = arith.constant 2 : index
    %get3A_1429 = arith.constant 0 : index
    %get3A_1430 = vector.load %arg6[%get3A_1428, %get3A_1429] : memref<4x8xf32, #tpu.memory_space<vmem>>, vector<1x8xf32>
    %add3A_1431 = arith.addf %get3A_1430, %mul3A_1427 : vector<1x8xf32>
    %swap3A_1432 = arith.constant 2 : index
    %swap3A_1433 = arith.constant 0 : index
    %swap3A_1434 = vector.load %arg6[%swap3A_1432, %swap3A_1433] : memref<4x8xf32, #tpu.memory_space<vmem>>, vector<1x8xf32>
    tpu.vector_store %arg6[%swap3A_1432, %swap3A_1433], %add3A_1431 {strides = array<i32>} : memref<4x8xf32, #tpu.memory_space<vmem>>, vector<1x8xf32>,
    %get3A_1435 = arith.constant 3 : index
    %get3A_1436 = arith.constant 0 : index
    %get3A_1437 = vector.load %arg6[%get3A_1435, %get3A_1436] : memref<4x8xf32, #tpu.memory_space<vmem>>, vector<1x8xf32>
    %add3A_1438 = arith.addf %get3A_1437, %select_n3A_1421 : vector<1x8xf32>
    %swap3A_1439 = arith.constant 3 : index
    %swap3A_1440 = arith.constant 0 : index
    %swap3A_1441 = vector.load %arg6[%swap3A_1439, %swap3A_1440] : memref<4x8xf32, #tpu.memory_space<vmem>>, vector<1x8xf32>
    tpu.vector_store %arg6[%swap3A_1439, %swap3A_1440], %add3A_1438 {strides = array<i32>} : memref<4x8xf32, #tpu.memory_space<vmem>>, vector<1x8xf32>,
    %dot_general3A_1442 = arith.constant dense<0.000000e+00> : vector<24x8xf32>
    %dot_general3A_1443 = tpu.matmul %concatenate3A_1319, %broadcast_in_dim3A_16, %dot_general3A_1442 {dimension_numbers = #tpu.dot_dimension_numbers<[1], [0], [0], [1], [0, 0, 1, 1], [], []>, transpose_lhs_hint = false} : vector<24x128xf32>, vector<128x8xf32>, vector<24x8xf32> -> vector<24x8xf32>
    %transpose3A_1444 = tpu.transpose %dot_general3A_1443, [1, 0] : vector<24x8xf32> -> vector<8x24xf32>
    %slice3A_1445 = vector.extract_strided_slice %transpose3A_1444 {offsets = [0, 0], sizes = [1, 8], strides = [1, 1]} : vector<8x24xf32> to vector<1x8xf32>
    %max3A_1446 = arith.constant 1.000000e-30 : f32
    %max3A_1447 = vector.broadcast %max3A_1446 : f32 to vector<1x8xf32>
    %max3A_1448 = arith.maximumf %slice3A_1445, %max3A_1447 : vector<1x8xf32>
    %slice3A_1449 = vector.extract_strided_slice %transpose3A_1444 {offsets = [0, 8], sizes = [1, 8], strides = [1, 1]} : vector<8x24xf32> to vector<1x8xf32>
    %slice3A_1450 = vector.extract_strided_slice %transpose3A_1444 {offsets = [0, 16], sizes = [1, 8], strides = [1, 1]} : vector<8x24xf32> to vector<1x8xf32>
    %div3A_1451 = arith.divf %slice3A_1450, %max3A_1448 : vector<1x8xf32>
    %div3A_1452 = arith.divf %slice3A_1449, %max3A_1448 : vector<1x8xf32>
    %slice3A_1453 = vector.extract_strided_slice %get3A_20 {offsets = [3, 0], sizes = [1, 8], strides = [1, 1]} : vector<8x128xf32> to vector<1x8xf32>
    %slice3A_1454 = vector.extract_strided_slice %get3A_20 {offsets = [4, 0], sizes = [1, 8], strides = [1, 1]} : vector<8x128xf32> to vector<1x8xf32>
    %slice3A_1455 = vector.extract_strided_slice %get3A_20 {offsets = [5, 0], sizes = [1, 8], strides = [1, 1]} : vector<8x128xf32> to vector<1x8xf32>
    %gt3A_1456 = arith.constant 0.000000e+00 : f32
    %gt3A_1457 = vector.broadcast %gt3A_1456 : f32 to vector<1x8xf32>
    %gt3A_1458 = arith.cmpf ogt, %slice3A_1455, %gt3A_1457 : vector<1x8xf32>
    %jit3A_1459 = arith.constant 1.000000e+00 : f32
    %jit3A_1460 = arith.constant 0.000000e+00 : f32
    %broadcast_in_dim3A_1461 = vector.broadcast %jit3A_1459 : f32 to vector<1x8xf32>
    %broadcast_in_dim3A_1462 = vector.broadcast %jit3A_1460 : f32 to vector<1x8xf32>
    %select_n3A_1463 = arith.select %gt3A_1458, %broadcast_in_dim3A_1461, %broadcast_in_dim3A_1462 : vector<1x8xi1>, vector<1x8xf32>
    %sub3A_1464 = arith.subf %slice3A_1453, %div3A_1451 : vector<1x8xf32>
    %sub3A_1465 = arith.subf %slice3A_1454, %div3A_1452 : vector<1x8xf32>
    %mul3A_1466 = arith.mulf %sub3A_1464, %sub3A_1464 : vector<1x8xf32>
    %mul3A_1467 = arith.mulf %sub3A_1465, %sub3A_1465 : vector<1x8xf32>
    %add3A_1468 = arith.addf %mul3A_1466, %mul3A_1467 : vector<1x8xf32>
    %mul3A_1469 = arith.mulf %select_n3A_1463, %add3A_1468 : vector<1x8xf32>
    %get3A_1470 = arith.constant 2 : index
    %get3A_1471 = arith.constant 0 : index
    %get3A_1472 = vector.load %arg6[%get3A_1470, %get3A_1471] : memref<4x8xf32, #tpu.memory_space<vmem>>, vector<1x8xf32>
    %add3A_1473 = arith.addf %get3A_1472, %mul3A_1469 : vector<1x8xf32>
    %swap3A_1474 = arith.constant 2 : index
    %swap3A_1475 = arith.constant 0 : index
    %swap3A_1476 = vector.load %arg6[%swap3A_1474, %swap3A_1475] : memref<4x8xf32, #tpu.memory_space<vmem>>, vector<1x8xf32>
    tpu.vector_store %arg6[%swap3A_1474, %swap3A_1475], %add3A_1473 {strides = array<i32>} : memref<4x8xf32, #tpu.memory_space<vmem>>, vector<1x8xf32>,
    %get3A_1477 = arith.constant 3 : index
    %get3A_1478 = arith.constant 0 : index
    %get3A_1479 = vector.load %arg6[%get3A_1477, %get3A_1478] : memref<4x8xf32, #tpu.memory_space<vmem>>, vector<1x8xf32>
    %add3A_1480 = arith.addf %get3A_1479, %select_n3A_1463 : vector<1x8xf32>
    %swap3A_1481 = arith.constant 3 : index
    %swap3A_1482 = arith.constant 0 : index
    %swap3A_1483 = vector.load %arg6[%swap3A_1481, %swap3A_1482] : memref<4x8xf32, #tpu.memory_space<vmem>>, vector<1x8xf32>
    tpu.vector_store %arg6[%swap3A_1481, %swap3A_1482], %add3A_1480 {strides = array<i32>} : memref<4x8xf32, #tpu.memory_space<vmem>>, vector<1x8xf32>,
    %eq3A_1484 = arith.constant 16 : i32
    %eq3A_1485 = arith.cmpi eq, %arg0, %eq3A_1484 : i32
    %convert_element_type3A_1486 = arith.extui %eq3A_1485 : i1 to i32
    %cond3A_1487 = arith.constant 0 : i32
    %cond3A_1488 = arith.cmpi ne, %convert_element_type3A_1486, %cond3A_1487 : i32
    scf.if %cond3A_1488 {
      %get3A_1489 = arith.constant 0 : index
      %get3A_1490 = arith.constant 0 : index
      %get3A_1491 = vector.load %arg6[%get3A_1489, %get3A_1490] : memref<4x8xf32, #tpu.memory_space<vmem>>, vector<1x8xf32>
      %reduce_sum3A = vector.shape_cast %get3A_1491 : vector<1x8xf32> to vector<1x1x8xf32>
      %reduce_sum3A_1492 = arith.constant dense<0.000000e+00> : vector<1xf32>
      %reduce_sum3A_1493 = vector.multi_reduction <add>, %reduce_sum3A, %reduce_sum3A_1492 [1, 2] : vector<1x1x8xf32> to vector<1xf32>
      %reduce_sum3A_1494 = vector.shape_cast %reduce_sum3A_1493 : vector<1xf32> to vector<1x1x1xf32>
      %reduce_sum3A_1495 = vector.extract %reduce_sum3A_1494[0, 0, 0] : f32 from vector<1x1x1xf32>
      %get3A_1496 = arith.constant 1 : index
      %get3A_1497 = arith.constant 0 : index
      %get3A_1498 = vector.load %arg6[%get3A_1496, %get3A_1497] : memref<4x8xf32, #tpu.memory_space<vmem>>, vector<1x8xf32>
      %reduce_sum3A_1499 = vector.shape_cast %get3A_1498 : vector<1x8xf32> to vector<1x1x8xf32>
      %reduce_sum3A_1500 = arith.constant dense<0.000000e+00> : vector<1xf32>
      %reduce_sum3A_1501 = vector.multi_reduction <add>, %reduce_sum3A_1499, %reduce_sum3A_1500 [1, 2] : vector<1x1x8xf32> to vector<1xf32>
      %reduce_sum3A_1502 = vector.shape_cast %reduce_sum3A_1501 : vector<1xf32> to vector<1x1x1xf32>
      %reduce_sum3A_1503 = vector.extract %reduce_sum3A_1502[0, 0, 0] : f32 from vector<1x1x1xf32>
      %max3A_1504 = arith.constant 1.000000e+00 : f32
      %max3A_1505 = arith.maximumf %reduce_sum3A_1503, %max3A_1504 : f32
      %div3A_1506 = arith.divf %reduce_sum3A_1495, %max3A_1505 : f32
      %add3A_1507 = arith.constant 0.000000e+00 : f32
      %add3A_1508 = arith.addf %add3A_1507, %div3A_1506 : f32
      %get3A_1509 = arith.constant 2 : index
      %get3A_1510 = arith.constant 0 : index
      %get3A_1511 = vector.load %arg6[%get3A_1509, %get3A_1510] : memref<4x8xf32, #tpu.memory_space<vmem>>, vector<1x8xf32>
      %reduce_sum3A_1512 = vector.shape_cast %get3A_1511 : vector<1x8xf32> to vector<1x1x8xf32>
      %reduce_sum3A_1513 = arith.constant dense<0.000000e+00> : vector<1xf32>
      %reduce_sum3A_1514 = vector.multi_reduction <add>, %reduce_sum3A_1512, %reduce_sum3A_1513 [1, 2] : vector<1x1x8xf32> to vector<1xf32>
      %reduce_sum3A_1515 = vector.shape_cast %reduce_sum3A_1514 : vector<1xf32> to vector<1x1x1xf32>
      %reduce_sum3A_1516 = vector.extract %reduce_sum3A_1515[0, 0, 0] : f32 from vector<1x1x1xf32>
      %get3A_1517 = arith.constant 3 : index
      %get3A_1518 = arith.constant 0 : index
      %get3A_1519 = vector.load %arg6[%get3A_1517, %get3A_1518] : memref<4x8xf32, #tpu.memory_space<vmem>>, vector<1x8xf32>
      %reduce_sum3A_1520 = vector.shape_cast %get3A_1519 : vector<1x8xf32> to vector<1x1x8xf32>
      %reduce_sum3A_1521 = arith.constant dense<0.000000e+00> : vector<1xf32>
      %reduce_sum3A_1522 = vector.multi_reduction <add>, %reduce_sum3A_1520, %reduce_sum3A_1521 [1, 2] : vector<1x1x8xf32> to vector<1xf32>
      %reduce_sum3A_1523 = vector.shape_cast %reduce_sum3A_1522 : vector<1xf32> to vector<1x1x1xf32>
      %reduce_sum3A_1524 = vector.extract %reduce_sum3A_1523[0, 0, 0] : f32 from vector<1x1x1xf32>
      %max3A_1525 = arith.constant 1.000000e+00 : f32
      %max3A_1526 = arith.maximumf %reduce_sum3A_1524, %max3A_1525 : f32
      %div3A_1527 = arith.divf %reduce_sum3A_1516, %max3A_1526 : f32
      %add3A_1528 = arith.addf %add3A_1508, %div3A_1527 : f32
      %div3A_1529 = arith.constant 2.000000e+00 : f32
      %div3A_1530 = arith.divf %add3A_1528, %div3A_1529 : f32
      %swap3A_1531 = arith.constant 0 : index
      %swap3A_1532 = arith.constant 0 : index
      %swap3A_1533 = memref.load %arg5[%swap3A_1531, %swap3A_1532] : memref<1x1xf32, #tpu.memory_space<smem>>
      memref.store %div3A_1530, %arg5[%swap3A_1531, %swap3A_1532] : memref<1x1xf32, #tpu.memory_space<smem>>
    } else {
    }
    return
  }
  func.func @transform_0(%arg0: i32) -> (i32, i32) {
    %c0_i32 = arith.constant 0 : i32
    %c0_i32_0 = arith.constant 0 : i32
    %c0_i32_1 = arith.constant 0 : i32
    return %c0_i32, %c0_i32_0 : i32, i32
  }
  func.func @transform_1(%arg0: i32) -> (i32, i32, i32) {
    %c0_i32 = arith.constant 0 : i32
    %c0_i32_0 = arith.constant 0 : i32
    %c0_i32_1 = arith.constant 0 : i32
    return %arg0, %c0_i32, %c0_i32_0 : i32, i32, i32
  }
  func.func @transform_2(%arg0: i32) -> (i32, i32, i32, i32, i32) {
    %c0_i32 = arith.constant 0 : i32
    %c0_i32_0 = arith.constant 0 : i32
    %c0_i32_1 = arith.constant 0 : i32
    %c0_i32_2 = arith.constant 0 : i32
    %c0_i32_3 = arith.constant 0 : i32
    return %c0_i32, %c0_i32_0, %arg0, %c0_i32_1, %c0_i32_2 : i32, i32, i32, i32, i32
  }
  func.func @transform_3(%arg0: i32) -> (i32, i32, i32, i32, i32) {
    %add3A = arith.constant 17 : i32
    %add3A_0 = arith.addi %arg0, %add3A : i32
    %c0_i32 = arith.constant 0 : i32
    %c0_i32_1 = arith.constant 0 : i32
    %c0_i32_2 = arith.constant 0 : i32
    %c0_i32_3 = arith.constant 0 : i32
    %c0_i32_4 = arith.constant 0 : i32
    return %c0_i32, %c0_i32_1, %add3A_0, %c0_i32_2, %c0_i32_3 : i32, i32, i32, i32, i32
  }
  func.func @transform_4(%arg0: i32) -> (i32, i32) {
    %c0_i32 = arith.constant 0 : i32
    %c0_i32_0 = arith.constant 0 : i32
    %c0_i32_1 = arith.constant 0 : i32
    return %c0_i32, %c0_i32_0 : i32, i32
  }
}

</mosaic_0001>

<sc_bundles>
// kernel: kernel.4.cloned.1.call-start
scs
__scs_entry_jumppad:
0x0: {  	(pc) =	sbr.rel $0x88, $3  }
0x1: {  	(tag) =	ssettag $0x0;
	lr =	simm.s32 $0x1  }
0x2: {  	[smem:$0x3F9E] =	sst lr;
	_ =	strace $0xD0000000  }
0x3: {  	_ = 	snop  }
0x4: {  	_ = 	snop  }
0x5: {  	_ = 	snop  }
0x6: {  	_ = 	snop  }
0x7: {  	_ = 	snop  }
__scs_overlays_trampoline_lowered:
0x8: {  	[smem:$0x3FAD] =	sst s0  }
0x9: {  	[smem:$0x3FAE] =	sst s1  }
0xa: {  	[smem:$0x3FAF] =	sst s2  }
0xb: {  	[smem:$0x3FB0] =	sst s3  }
0xc: {  	[smem:$0x3FB1] =	sst s4  }
0xd: {  	[smem:$0x3FB2] =	sst s5  }
0xe: {  	[smem:$0x3FB3] =	sst s6  }
0xf: {  	[smem:$0x3FB4] =	sst s7  }
0x10: {  	[smem:$0x3FB5] =	sst s8  }
0x11: {  	[smem:$0x3FB6] =	sst s9;
	s0 =	simm.s32 @!p0 $0x0  }
0x12: {  	s1 =	sld [smem:$0x3F9C];
	s0 =	simm.s32 @p0 $0x1  }
0x13: {  	[smem:$0x3FB7] =	sst s0;
	s0 =	simm.s32 @!p1 $0x0  }
0x14: {  	s2 =	sld [smem:$0x3F9B];
	s0 =	simm.s32 @p1 $0x1  }
0x15: {  	[smem:$0x3FB8] =	sst s0;
	s0 =	simm.s32 @!p2 $0x0  }
0x16: {  	s3 =	sld [smem:$0x3FDB];
	s0 =	simm.s32 @p2 $0x1  }
0x17: {  	s4 =	simm.s32 $0x1BF5;
	[smem:$0x3FBA] =	sst s0  }
0x18: {  	s0 =	sld [smem:$0x3F9D];
	_ =	swait.ge [sflag:s4], $0x0  }
0x19: {  	s7 =	sld [smem:$0x3F9E]  }
0x1a: {  	s8 =	sadd.s32 $0xFFFFE003, lr  }
0x1b: {  	s9 =	sadd.s32 $0xFFFFFEF7, lr;
	s5 =	simm.s32 $0xFFFFFFFF;
	p2 =	slt.u32 s8, $0xFFFFF086  }
0x1c: {  	p1 =	slt.u32 s9, $0xF7A;
	s5 =	simm.s32 @!p2 $0x0  }
0x1d: {  	s5 =	simm.s32 @p1 $0x1;
	p0 =	seq.s32 s7, s2  }
0x1e: {  	s7 =	smul.u32 @!p0 $0xF7A, s2;
	p2 =	seq.s32 @!p0 s5, $0x0  }
0x1f: {  	s9 =	smul.u32 $0xF7A, s1;
	s8 =	simm.s32 @!p0 $0x1BF5;
	p2 =	por !p2, p0  }
0x20: {  	[sflag:s8] =	ssyncset.s32 @!p0 $0xFFFFF086;
	s6 =	sadd.s32 @!p0 s3, s7;
	s7 =	simm.s32 @!p0 $0x108  }
0x21: {  	s3 =	sadd.s32 s3, s9;
	s6 =	sadd.s32 @!p0 $0x88, s6;
	s7 =	simm.s32 @p2 $0x1082  }
0x22: {  	[simem:s7], [sflag:s8] =	dma.local @!p0 [hbm:s6], $0xF7A  }
0x23: {  	s9 =	sor.u32 $0xD0000000, s2;
	s6 =	simm.s32 $0x108;
	_ =	swait.ge @!p0 [sflag:s8], $0x0  }
0x24: {  	s3 =	sadd.s32 $0x88, s3;
	s6 =	simm.s32 @!p1 $0x1082;
	[sflag:s4] =	ssyncset.s32 $0xFFFFF086  }
0x25: {  	[simem:s6], [sflag:s4] =	dma.local [hbm:s3], $0xF7A  }
0x26: {  	[smem:$0x3F9E] =	sst s1;
	(tag) =	ssettag s2;
	_ =	strace s9  }
0x27: {  	s1 =	sld [smem:$0x3FAE]  }
0x28: {  	s2 =	sld [smem:$0x3FAF]  }
0x29: {  	s4 =	sld [smem:$0x3FB1]  }
0x2a: {  	p0 =	seq.s32 s5, $0x0;
	s5 =	sld [smem:$0x3FB2]  }
0x2b: {  	s6 =	sld [smem:$0x3FB3]  }
0x2c: {  	s7 =	sld [smem:$0x3FB4]  }
0x2d: {  	s3 =	simm.s32 $0x108;
	s8 =	sld [smem:$0x3FB5]  }
0x2e: {  	s3 =	simm.s32 @!p0 $0x1082;
	s9 =	sld [smem:$0x3FB6]  }
0x2f: {  	lr =	sadd.s32 s0, s3;
	s0 =	sld [smem:$0x3FAD]  }
0x30: {  	s3 =	sld [smem:$0x3FB0]  }
0x31: {  	[smem:$0x3FB9] =	sst s10  }
0x32: {  	s10 =	sld [smem:$0x3FB7];
	_ =	sdelay $0x3  }
0x33: {  	p0 =	seq.s32 s10, $0x1;
	s10 =	sld [smem:$0x3FB9];
	_ =	sdelay $0x3  }
0x34: {  	[smem:$0x3FB9] =	sst s10  }
0x35: {  	s10 =	sld [smem:$0x3FB8];
	_ =	sdelay $0x3  }
0x36: {  	p1 =	seq.s32 s10, $0x1;
	s10 =	sld [smem:$0x3FB9];
	_ =	sdelay $0x3  }
0x37: {  	[smem:$0x3FB9] =	sst s10  }
0x38: {  	s10 =	sld [smem:$0x3FBA]  }
0x39: {  	_ = 	snop;
	(pc) =	sbr.ind lr, $3  }
0x3a: {  	_ = 	snop  }
0x3b: {  	_ = 	snop  }
0x3c: {  	p2 =	seq.s32 s10, $0x1;
	s10 =	sld [smem:$0x3FB9]  }
0x3d: {  	_ =	shalt  }
0x3e: {  	_ =	shalt  }
0x3f: {  	_ =	shalt  }
0x40: {  	_ =	shalt  }
0x41: {  	_ =	shalt  }
0x42: {  	_ =	shalt  }
0x43: {  	_ =	shalt  }
0x44: {  	_ =	shalt  }
0x45: {  	_ =	shalt  }
0x46: {  	_ =	shalt  }
0x47: {  	_ =	shalt  }
0x48: {  	_ =	shalt  }
0x49: {  	_ =	shalt  }
0x4a: {  	_ =	shalt  }
0x4b: {  	_ =	shalt  }
0x4c: {  	_ =	shalt  }
0x4d: {  	_ =	shalt  }
0x4e: {  	_ =	shalt  }
0x4f: {  	_ =	shalt  }
0x50: {  	_ =	shalt  }
0x51: {  	_ =	shalt  }
0x52: {  	_ =	shalt  }
0x53: {  	_ =	shalt  }
0x54: {  	_ =	shalt  }
0x55: {  	_ =	shalt  }
0x56: {  	_ =	shalt  }
0x57: {  	_ =	shalt  }
0x58: {  	_ =	shalt  }
0x59: {  	_ =	shalt  }
0x5a: {  	_ =	shalt  }
0x5b: {  	_ =	shalt  }
0x5c: {  	_ =	shalt  }
0x5d: {  	_ =	shalt  }
0x5e: {  	_ =	shalt  }
0x5f: {  	_ =	shalt  }
0x60: {  	_ =	shalt  }
0x61: {  	_ =	shalt  }
0x62: {  	_ =	shalt  }
0x63: {  	_ =	shalt  }
0x64: {  	_ =	shalt  }
0x65: {  	_ =	shalt  }
0x66: {  	_ =	shalt  }
0x67: {  	_ =	shalt  }
0x68: {  	_ =	shalt  }
0x69: {  	_ =	shalt  }
0x6a: {  	_ =	shalt  }
0x6b: {  	_ =	shalt  }
0x6c: {  	_ =	shalt  }
0x6d: {  	_ =	shalt  }
0x6e: {  	_ =	shalt  }
0x6f: {  	_ =	shalt  }
0x70: {  	_ =	shalt  }
0x71: {  	_ =	shalt  }
0x72: {  	_ =	shalt  }
0x73: {  	_ =	shalt  }
0x74: {  	_ =	shalt  }
0x75: {  	_ =	shalt  }
0x76: {  	_ =	shalt  }
0x77: {  	_ =	shalt  }
0x78: {  	_ =	shalt  }
0x79: {  	_ =	shalt  }
0x7a: {  	_ =	shalt  }
0x7b: {  	_ =	shalt  }
0x7c: {  	_ =	shalt  }
0x7d: {  	_ =	shalt  }
0x7e: {  	_ =	shalt  }
0x7f: {  	_ =	shalt  }
0x80: {  	_ =	shalt  }
0x81: {  	_ =	shalt  }
0x82: {  	_ =	shalt  }
0x83: {  	_ =	shalt  }
0x84: {  	_ =	shalt  }
0x85: {  	_ =	shalt  }
0x86: {  	_ =	shalt  }
0x87: {  	_ =	shalt  }
.Lfunc_end0:
.L_simem_size_0:
called_computation_lowered:
.L_overlay_start_0:
0x88: {  	s2 =	sld [smem:$0x3FD9]  }
0x89: {  	s3 =	sld [smem:$0x3FFE];
	_ =	sdelay $0x1  }
0x8a: {  	s1 =	srdreg.scid  }
0x8b: {  	s0 =	sand.u32 $0x1, s1  }
0x8c: {  	s17 =	sshll.u32 s0, $0xA;
	s2 =	sadd.s32 s3, s2  }
0x8d: {  	s2 =	sadd.s32 s2, s17  }
0x8e: {  	[smem:$0x3FC5] =	sst s2  }
0x8f: {  	_ = 	snop  }
0x90: {  	s2 =	sld [smem:$0x3FC9];
	(tm) =	ssettm $0x1  }
0x91: {  	s18 =	sld [smem:$0x3FFB];
	_ =	sdelay $0x3  }
0x92: {  	_ =	strace s18  }
0x93: {  	s3 =	sld [smem:$0x3FFC];
	_ =	sdelay $0x3  }
0x94: {  	_ =	strace s3  }
0x95: {  	s3 =	sld [smem:$0x3FFD];
	_ =	sdelay $0x3  }
0x96: {  	_ =	strace s3  }
0x97: {  	_ =	strace $0x8FFFFFFF  }
0x98: {  	s19 =	sld [smem:$0x3FDB];
	_ =	sdelay $0x1  }
0x99: {  	s4 =	simm.s32 $_scs_section_size  }
0x9a: {  	s5 =	simm.s32 $_size__tile_overlayer_lowered;
	s6 =	simm.s32 $_tile_overlayer_lowered  }
0x9b: {  	s22 =	simm.s32 $0x1BFF;
	s21 =	sshll.u32 s6, $0x1;
	s3 =	sadd.s32 s4, s19  }
0x9c: {  	s7 =	simm.s32 $0x0;
	s20 =	sshll.u32 s5, $0x1;
	s5 =	sadd.s32 s21, s3  }
0x9d: {  	[timem:s7], [sflag:s22] =	dma.local [hbm:s5], s20  }
0x9e: {  	_ =	swait.ge [sflag:s22], s20  }
0x9f: {  	s4 =	ssub.s32 $0x0, s20;
	[sflag:s22] =	ssyncset.done $0x0  }
0xa0: {  	[sflag:s22] =	ssyncadd.s32 s4;
	_ =	sdelay $0x1  }
0xa1: {  	s23 =	simm.s32 $0x1B8B  }
0xa2: {  	_ =	swait.ge [sflag:s23], $0x1  }
0xa3: {  	[sflag:s23] =	ssyncset.done $0x0  }
0xa4: {  	s25 =	simm.s32 $0x1B8E;
	s24 =	sld [smem:$0x3FFE];
	[sflag:s23] =	ssyncadd.s32 $0xFFFFFFFF  }
0xa5: {  	s26 =	simm.s32 $execute0_lowered;
	[smem:$0x3FD2] =	sst s25  }
0xa6: {  	s5 =	sshll.u32 s26, $0x1;
	_ =	strace $0x80000046;
	[dreg:$0x1] =	wrdreg $0xFFFFFFFF  }
0xa7: {  	s28 =	simm.s32 $_size_execute0_lowered;
	s3 =	sadd.s32 s3, s5;
	[dreg:$0x0] =	wrdreg $0x0  }
0xa8: {  	s5 =	sshll.u32 s28, $0x1;
	[dreg:$0x2] =	wrdreg s3  }
0xa9: {  	[dreg:$0x3] =	wrdreg s5  }
0xaa: {  	[dreg:$0x4] =	wrdreg $0xC0  }
0xab: {  	_ =	task [dreg:s7], $0x5FFFF  }
0xac: {  	[dreg:$0x1] =	wrdreg $0xFFFFFFFF  }
0xad: {  	[dreg:$0x0] =	wrdreg $0x60  }
0xae: {  	[dreg:$0x2] =	wrdreg s2  }
0xaf: {  	[dreg:$0x3] =	wrdreg s24  }
0xb0: {  	[dreg:$0x4] =	wrdreg $0x9  }
0xb1: {  	_ =	task.clear_ibuf [dreg:s7], $0x5FFFF;
	_ =	strace $0x90000046  }
0xb2: {  	s29 =	simm.s32 $0x9;
	_ =	strace $0x80000048  }
0xb3: {  	_ =	swait.ge [sflag:s29], $0x1  }
0xb4: {  	[sflag:s29] =	ssyncadd.s32 $0xFFFFFFFF  }
0xb5: {  	_ =	strace $0x90000048  }
0xb6: {  	_ =	sfence  }
0xb7: {  	s30 =	sld [smem:$0x0];
	_ =	sdelay $0x2  }
0xb8: {  	s31 =	sshll.u32 s1, $0xD;
	s1 =	sshrl.u32 s1, $0x2  }
0xb9: {  	s3 =	sand.u32 $0x4000, s31;
	s1 =	sadd.s32 s1, s30  }
0xba: {  	s0 =	sor.u32 s3, s0;
	s1 =	sshll.u32 s1, $0x11  }
0xbb: {  	s0 =	sor.u32 s1, s0  }
0xbc: {  	s0 =	sadd.s32 $0x8F2B, s0  }
0xbd: {  	[sflag:s0] =	ssyncadd.remote.s32 $0x1  }
0xbe: {  	_ =	sfence.sel $0xFFFF  }
0xbf: {  	[dreg:$0x0] =	wrdreg $0xFFFFFFFF;
	(pc) =	sbr.abs _section_cstart, $3  }
0xc0: {  	[dreg:$0x1] =	wrdreg $0xFFFFFFFF  }
0xc1: {  	_ =	task.clear_ibuf [dreg:s7], $0x2FFFF;
	_ =	strace $0x9FFFFFFF  }
0xc2: {  	(tm) =	ssettm $0x7FFFFFFF  }
0xc3: {  	_ =	shalt  }
tec
execute0_lowered:
.L_overlay_start_1:
0x0: {  	(tag) =	ssettag $0x1  }
0x1: {  	s1 =	srdreg.scid;
	s0 =	stileid.u32  }
0x2: {  	s7 =	sand.u32 $0x1, s1;
	s4 =	sshll.u32 s0, $0x8  }
0x3: {  	s16 =	sshll.u32 s0, $0x7;
	s3 =	sshll.u32 s7, $0x7;
	s5 =	sand.u32 $0x300, s4  }
0x4: {  	s2 =	rddreg [dreg:$0x0];
	s1 =	sand.u32 $0x400, s16;
	s5 =	sor.u32 s3, s5  }
0x5: {  	s6 =	rddreg [dreg:$0x1];
	s4 =	sand.u32 $0xC00, s4;
	s8 =	sor.u32 s1, s5  }
0x6: {  	s3 =	simm.s32 $0x0;
	s4 =	sor.u32 s4, s5;
	s8 =	sshrl.u32 s8, $0x3  }
0x7: {  	s1 =	rddreg [dreg:$0x2];
	s4 =	sshrl.u32 s4, $0x3;
	s8 =	sadd.s32 s8, s6  }
0x8: {  	[smem:$0x7FF] =	sst s3;
	s4 =	sadd.s32 s4, s6;
	s17 =	sadd.s32 $0xC00, s8  }
0x9: {  	_ =	strace $0x80000047;
	s4 =	sadd.s32 $0xE00, s4;
	[dreg:$0x3] =	wrdreg s17  }
0xa: {  	[dreg:$0x4] =	wrdreg s4  }
0xb: {  	s4 =	simm.s32 $0x2;
	s5 =	rddreg [dreg:$0x3]  }
0xc: {  	[tilespmem:s3], [sflag:$0x2] =	stream.linear.gather [hbm4b:s5+s3], $0x80, $0x38;
	[tilespmem:$0x100] =	vst v63  }
0xd: {  	_ =	swait.ge [sflag:s4], $0x80  }
0xe: {  	[sflag:s4] =	ssyncset.done $0x0  }
0xf: {  	[sflag:s4] =	ssyncadd.s32 $0xFFFFFF80  }
0x10: {  	s18 =	sshrl.u32 s0, $0x2;
	v1 =	vld [tilespmem:$0x0]  }
0x11: {  	s5 =	smul.u32 $0x88000, s18;
	_ =	sdelay $0x1  }
0x12: {  	s5 =	sadd.s32 $0x44000, s5  }
0x13: {  	v0 =	vmov s5  }
0x14: {  	v1 =	vadd.s32 v0, v1;
	_ =	sdelay $0x3  }
0x15: {  	vm0 =	vmmov $0xffff;
	s6 =	simm.s32 $0x1;
	s5 =	simm.s32 $0x80  }
0x16: {  	v2 =	vld [tilespmem:$0x20];
	[tilespmem:s5], [sflag:$0x1] =	stream.indirect_vreg.gather [hbm4b:s2+s3], $0x1, v1, vm0, $0xb8  }
0x17: {  	_ =	swait.ge [sflag:s6], $0x10  }
0x18: {  	[sflag:s6] =	ssyncset.done $0x0  }
0x19: {  	[sflag:s6] =	ssyncadd.s32 $0xFFFFFFF0  }
0x1a: {  	v1 =	vld [tilespmem:$0x10]  }
0x1b: {  	v3 =	vld [tilespmem:$0x30];
	_ =	sdelay $0x3  }
0x1c: {  	v4 =	vadd.s32 v0, v1  }
0x1d: {  	vm1 =	vgt.s32 v2, $0x0;
	v1 =	vimm.f32 $0.0e+00;
	vm2 =	vgt.s32 v3, $0x0  }
0x1e: {  	v2 =	vsel vm1, $0x3F800000, v1;
	v3 =	vsel vm2, $0x3F800000, v1  }
0x1f: {  	v5 =	vadd.f32 v3, v2;
	_ =	sdelay $0x1  }
0x20: {  	v6 =	vld [tilespmem:$0x80];
	(v2sf) =	vpush v5, $0x0;
	[tilespmem:s5], [sflag:$0x1] =	stream.indirect_vreg.gather [hbm4b:s2+s3], $0x1, v4, vm0, $0xb8  }
0x21: {  	_ =	swait.ge [sflag:s6], $0x10  }
0x22: {  	(v2sf) =	vpush v5, $0x1  }
0x23: {  	[sflag:s6] =	ssyncset.done $0x0  }
0x24: {  	[sflag:s6] =	ssyncadd.s32 $0xFFFFFFF0;
	(v2sf) =	vpush v5, $0x2  }
0x25: {  	v63 =	vld [tilespmem:$0x80]  }
0x26: {  	(v2sf) =	vpush v5, $0x3;
	_ =	sdelay $0x1  }
0x27: {  	v2 =	vmul.f32 v6, v2;
	(v2sf) =	vpush v5, $0x4;
	_ =	sdelay $0x1  }
0x28: {  	v2 =	vadd.f32 $0.0e+00, v2;
	(v2sf) =	vpush v5, $0x5;
	v3 =	vmul.f32 v63, v3;
	_ =	sdelay $0x1  }
0x29: {  	(v2sf) =	vpush v5, $0x6;
	v2 =	vadd.f32 v3, v2  }
0x2a: {  	(v2sf) =	vpush v5, $0x7  }
0x2b: {  	(v2sf) =	vpush v2, $0x0  }
0x2c: {  	(v2sf) =	vpush v2, $0x1  }
0x2d: {  	s19 =	spop (v2sf);
	(v2sf) =	vpush v5, $0x8  }
0x2e: {  	s9 =	spop (v2sf);
	(v2sf) =	vpush v2, $0x2  }
0x2f: {  	s8 =	sadd.f32 s9, s19;
	(v2sf) =	vpush v5, $0x9  }
0x30: {  	s20 =	spop (v2sf);
	(v2sf) =	vpush v2, $0x3  }
0x31: {  	s8 =	sadd.f32 s8, s20;
	(v2sf) =	vpush v5, $0xA  }
0x32: {  	s21 =	spop (v2sf);
	(v2sf) =	vpush v2, $0x4  }
0x33: {  	s8 =	sadd.f32 s8, s21;
	(v2sf) =	vpush v5, $0xB  }
0x34: {  	s22 =	spop (v2sf);
	(v2sf) =	vpush v2, $0x5  }
0x35: {  	s8 =	sadd.f32 s8, s22;
	(v2sf) =	vpush v5, $0xC  }
0x36: {  	s23 =	spop (v2sf);
	(v2sf) =	vpush v2, $0x6  }
0x37: {  	s8 =	sadd.f32 s8, s23;
	(v2sf) =	vpush v5, $0xD  }
0x38: {  	s24 =	spop (v2sf);
	(v2sf) =	vpush v2, $0x7  }
0x39: {  	s25 =	spop (v2sf);
	s8 =	sadd.f32 s8, s24;
	(v2sf) =	vpush v5, $0xE  }
0x3a: {  	s10 =	spop (v2sf);
	(v2sf) =	vpush v2, $0x8  }
0x3b: {  	s26 =	spop (v2sf);
	s8 =	sadd.f32 s8, s25;
	(v2sf) =	vpush v5, $0xF  }
0x3c: {  	s9 =	sadd.f32 s26, s10;
	s28 =	spop (v2sf)  }
0x3d: {  	(v2sf) =	vpush v2, $0x9;
	s8 =	sadd.f32 s8, s28;
	s29 =	spop (v2sf)  }
0x3e: {  	s9 =	sadd.f32 s9, s29;
	s30 =	spop (v2sf)  }
0x3f: {  	(v2sf) =	vpush v2, $0xA;
	s8 =	sadd.f32 s8, s30;
	s31 =	spop (v2sf)  }
0x40: {  	s9 =	sadd.f32 s9, s31;
	s11 =	spop (v2sf)  }
0x41: {  	(v2sf) =	vpush v2, $0xB;
	s8 =	sadd.f32 s8, s11;
	s12 =	spop (v2sf)  }
0x42: {  	s9 =	sadd.f32 s9, s12;
	s13 =	spop (v2sf)  }
0x43: {  	(v2sf) =	vpush v2, $0xC;
	s8 =	sadd.f32 s8, s13;
	s14 =	spop (v2sf)  }
0x44: {  	s9 =	sadd.f32 s9, s14;
	s15 =	spop (v2sf)  }
0x45: {  	(v2sf) =	vpush v2, $0xD;
	s8 =	sadd.f32 s8, s15;
	s16 =	spop (v2sf)  }
0x46: {  	s9 =	sadd.f32 s9, s16;
	s17 =	spop (v2sf)  }
0x47: {  	(v2sf) =	vpush v2, $0xE;
	s8 =	sadd.f32 s8, s17;
	s18 =	spop (v2sf)  }
0x48: {  	s9 =	sadd.f32 s9, s18;
	s19 =	spop (v2sf)  }
0x49: {  	(v2sf) =	vpush v2, $0xF;
	s8 =	sadd.f32 s8, s19;
	s20 =	spop (v2sf)  }
0x4a: {  	s9 =	sadd.f32 s9, s20;
	s21 =	spop (v2sf)  }
0x4b: {  	s8 =	sadd.f32 s8, s21  }
0x4c: {  	s22 =	spop (v2sf)  }
0x4d: {  	s9 =	sadd.f32 s9, s22;
	v2 =	vmov s8  }
0x4e: {  	s23 =	spop (v2sf);
	v2 =	vmax.f32 v2, $1.000000000e+00  }
0x4f: {  	s8 =	sadd.f32 s9, s23;
	v2 =	vbroadcast v2, $0x0  }
0x50: {  	s24 =	spop (v2sf)  }
0x51: {  	s8 =	sadd.f32 s8, s24;
	(erf) = vrcp.f32 v2  }
0x52: {  	s25 =	spop (v2sf)  }
0x53: {  	s8 =	sadd.f32 s8, s25  }
0x54: {  	s26 =	spop (v2sf)  }
0x55: {  	s7 =	ssub.s32 $0x2, s7;
	s8 =	sadd.f32 s8, s26  }
0x56: {  	s30 =	sshrl.u32 s7, $0x1;
	s28 =	spop (v2sf)  }
0x57: {  	s7 =	ssub.s32 s7, s30;
	s8 =	sadd.f32 s8, s28  }
0x58: {  	s7 =	smax.u32 s7, $0x1;
	s29 =	spop (v2sf)  }
0x59: {  	p0 =	sne.s32 s7, $0x1;
	s8 =	sadd.f32 s8, s29  }
.Ltmp0:
0x5a: {  	v2 =	vpop (erf);
	(pc) =	sbr.rel @!p0 .LBB2_2-.Ltmp0, $3  }
0x5b: {  	v2 =	vmul.f32 s8, v2;
	_ =	sdelay $0x1  }
0x5c: {  	s31 =	rddreg [dreg:$0x4];
	s7 =	sadd.s32 $0xFFFFFFFF, s7;
	[tilespmem:$0x80] =	vst v2  }
0x5d: {  	[hbm4b:s31+s3] =	stream.linear.scatter [tilespmem:s5], [sflag:$0x2], $0x80, $0x38;
	[tilespmem:$0x100] =	vst v63  }
.LBB2_1:
0x5e: {  	_ =	swait.ge [sflag:s4], $0x80  }
0x5f: {  	[sflag:s4] =	ssyncset.done $0x0  }
0x60: {  	s8 =	rddreg [dreg:$0x3];
	[sflag:s4] =	ssyncadd.s32 $0xFFFFFF80  }
0x61: {  	[tilespmem:s3], [sflag:$0x2] =	stream.linear.gather [hbm4b:s8+s3], $0x80, $0x38;
	[tilespmem:$0x100] =	vst v63  }
0x62: {  	_ =	swait.ge [sflag:s4], $0x80  }
0x63: {  	[sflag:s4] =	ssyncset.done $0x0  }
0x64: {  	[sflag:s4] =	ssyncadd.s32 $0xFFFFFF80  }
0x65: {  	v2 =	vld [tilespmem:$0x0];
	_ =	sdelay $0x4  }
0x66: {  	v2 =	vadd.s32 v0, v2;
	_ =	sdelay $0x4  }
0x67: {  	v3 =	vld [tilespmem:$0x20];
	[tilespmem:s5], [sflag:$0x1] =	stream.indirect_vreg.gather [hbm4b:s2+s3], $0x1, v2, vm0, $0xb8  }
0x68: {  	_ =	swait.ge [sflag:s6], $0x10  }
0x69: {  	[sflag:s6] =	ssyncset.done $0x0  }
0x6a: {  	[sflag:s6] =	ssyncadd.s32 $0xFFFFFFF0  }
0x6b: {  	v2 =	vld [tilespmem:$0x10]  }
0x6c: {  	v4 =	vld [tilespmem:$0x30];
	_ =	sdelay $0x1  }
0x6d: {  	v5 =	vld [tilespmem:$0x80];
	_ =	sdelay $0x1  }
0x6e: {  	vm1 =	vgt.s32 v3, $0x0;
	v2 =	vadd.s32 v0, v2  }
0x6f: {  	v3 =	vsel vm1, $0x3F800000, v1;
	vm1 =	vgt.s32 v4, $0x0  }
0x70: {  	v63 =	vsel vm1, $0x3F800000, v1  }
0x71: {  	v62 =	vmul.f32 v5, v3;
	v3 =	vadd.f32 v63, v3;
	_ =	sdelay $0x1  }
0x72: {  	(v2sf) =	vpush v3, $0x0;
	[tilespmem:s5], [sflag:$0x1] =	stream.indirect_vreg.gather [hbm4b:s2+s3], $0x1, v2, vm0, $0xb8;
	[tilespmem:$0x100] =	vst v63  }
0x73: {  	_ =	swait.ge [sflag:s6], $0x10  }
0x74: {  	(v2sf) =	vpush v3, $0x1  }
0x75: {  	[sflag:s6] =	ssyncset.done $0x0  }
0x76: {  	[sflag:s6] =	ssyncadd.s32 $0xFFFFFFF0;
	(v2sf) =	vpush v3, $0x2  }
0x77: {  	v2 =	vld [tilespmem:$0x80]  }
0x78: {  	(v2sf) =	vpush v3, $0x3;
	_ =	sdelay $0x1  }
0x79: {  	(v2sf) =	vpush v3, $0x4;
	_ =	sdelay $0x1  }
0x7a: {  	v4 =	vadd.f32 $0.0e+00, v62;
	(v2sf) =	vpush v3, $0x5;
	v2 =	vmul.f32 v2, v63;
	_ =	sdelay $0x1  }
0x7b: {  	(v2sf) =	vpush v3, $0x6;
	v2 =	vadd.f32 v2, v4  }
0x7c: {  	(v2sf) =	vpush v3, $0x7  }
0x7d: {  	(v2sf) =	vpush v2, $0x0  }
0x7e: {  	(v2sf) =	vpush v2, $0x1  }
0x7f: {  	s20 =	spop (v2sf);
	(v2sf) =	vpush v3, $0x8  }
0x80: {  	s9 =	spop (v2sf);
	(v2sf) =	vpush v2, $0x2  }
0x81: {  	s8 =	sadd.f32 s9, s20;
	(v2sf) =	vpush v3, $0x9  }
0x82: {  	s21 =	spop (v2sf);
	(v2sf) =	vpush v2, $0x3  }
0x83: {  	s8 =	sadd.f32 s8, s21;
	(v2sf) =	vpush v3, $0xA  }
0x84: {  	s22 =	spop (v2sf);
	(v2sf) =	vpush v2, $0x4  }
0x85: {  	s8 =	sadd.f32 s8, s22;
	(v2sf) =	vpush v3, $0xB  }
0x86: {  	s23 =	spop (v2sf);
	(v2sf) =	vpush v2, $0x5  }
0x87: {  	s8 =	sadd.f32 s8, s23;
	(v2sf) =	vpush v3, $0xC  }
0x88: {  	s24 =	spop (v2sf);
	(v2sf) =	vpush v2, $0x6  }
0x89: {  	s8 =	sadd.f32 s8, s24;
	(v2sf) =	vpush v3, $0xD  }
0x8a: {  	s25 =	spop (v2sf);
	(v2sf) =	vpush v2, $0x7  }
0x8b: {  	s26 =	spop (v2sf);
	s8 =	sadd.f32 s8, s25;
	(v2sf) =	vpush v3, $0xE  }
0x8c: {  	s10 =	spop (v2sf);
	(v2sf) =	vpush v2, $0x8  }
0x8d: {  	s28 =	spop (v2sf);
	s8 =	sadd.f32 s8, s26;
	(v2sf) =	vpush v3, $0xF  }
0x8e: {  	s9 =	sadd.f32 s28, s10;
	s29 =	spop (v2sf)  }
0x8f: {  	(v2sf) =	vpush v2, $0x9;
	s8 =	sadd.f32 s8, s29;
	s30 =	spop (v2sf)  }
0x90: {  	s9 =	sadd.f32 s9, s30;
	s31 =	spop (v2sf)  }
0x91: {  	(v2sf) =	vpush v2, $0xA;
	s8 =	sadd.f32 s8, s31;
	s11 =	spop (v2sf)  }
0x92: {  	s9 =	sadd.f32 s9, s11;
	s12 =	spop (v2sf)  }
0x93: {  	(v2sf) =	vpush v2, $0xB;
	s8 =	sadd.f32 s8, s12;
	s13 =	spop (v2sf)  }
0x94: {  	s9 =	sadd.f32 s9, s13;
	s14 =	spop (v2sf)  }
0x95: {  	(v2sf) =	vpush v2, $0xC;
	s8 =	sadd.f32 s8, s14;
	s15 =	spop (v2sf)  }
0x96: {  	s9 =	sadd.f32 s9, s15;
	s16 =	spop (v2sf)  }
0x97: {  	(v2sf) =	vpush v2, $0xD;
	s8 =	sadd.f32 s8, s16;
	s17 =	spop (v2sf)  }
0x98: {  	s9 =	sadd.f32 s9, s17;
	s18 =	spop (v2sf)  }
0x99: {  	(v2sf) =	vpush v2, $0xE;
	s8 =	sadd.f32 s8, s18;
	s19 =	spop (v2sf)  }
0x9a: {  	s9 =	sadd.f32 s9, s19;
	s20 =	spop (v2sf)  }
0x9b: {  	(v2sf) =	vpush v2, $0xF;
	s8 =	sadd.f32 s8, s20;
	s21 =	spop (v2sf)  }
0x9c: {  	s9 =	sadd.f32 s9, s21;
	s22 =	spop (v2sf)  }
0x9d: {  	s8 =	sadd.f32 s8, s22  }
0x9e: {  	s23 =	spop (v2sf)  }
0x9f: {  	s9 =	sadd.f32 s9, s23;
	v2 =	vmov s8  }
0xa0: {  	s24 =	spop (v2sf);
	v2 =	vmax.f32 v2, $1.000000000e+00  }
0xa1: {  	s8 =	sadd.f32 s9, s24;
	v2 =	vbroadcast v2, $0x0  }
0xa2: {  	s25 =	spop (v2sf)  }
0xa3: {  	s8 =	sadd.f32 s8, s25;
	(erf) = vrcp.f32 v2  }
0xa4: {  	s26 =	spop (v2sf)  }
0xa5: {  	s8 =	sadd.f32 s8, s26  }
0xa6: {  	s28 =	spop (v2sf)  }
0xa7: {  	s8 =	sadd.f32 s8, s28  }
0xa8: {  	s29 =	spop (v2sf)  }
0xa9: {  	s8 =	sadd.f32 s8, s29  }
0xaa: {  	s30 =	spop (v2sf)  }
0xab: {  	p0 =	sne.s32 s7, $0x1;
	s8 =	sadd.f32 s8, s30  }
.Ltmp1:
0xac: {  	v2 =	vpop (erf);
	(pc) =	sbr.rel @p0 .LBB2_1-.Ltmp1, $3  }
0xad: {  	v2 =	vmul.f32 s8, v2;
	_ =	sdelay $0x1  }
0xae: {  	s7 =	sadd.s32 $0xFFFFFFFF, s7;
	s31 =	rddreg [dreg:$0x4];
	[tilespmem:$0x80] =	vst v2  }
0xaf: {  	[hbm4b:s31+s3] =	stream.linear.scatter [tilespmem:s5], [sflag:$0x2], $0x80, $0x38;
	[tilespmem:$0x100] =	vst v63  }
.LBB2_2:
0xb0: {  	_ =	swait.ge [sflag:s4], $0x80  }
0xb1: {  	[sflag:s4] =	ssyncset.done $0x0  }
0xb2: {  	[sflag:s4] =	ssyncadd.s32 $0xFFFFFF80  }
0xb3: {  	_ =	sfence.sel $0x180000  }
0xb4: {  	[bflag:$0x0] =	sbarrier.arrive $0xFFFF  }
0xb5: {  	p0 =	sne.s32 s0, $0x0;
	_ =	strace $0x90000047  }
0xb6: {  	s0 =	sadd.s32 @!p0 $0x100000, s1;
	[bflag:$0x2] =	sbarrier.arrive $0xFFFF  }
0xb7: {  	[sflag:s0] =	ssyncadd.tile.s32 @!p0 $0x1;
	_ =	shalt  }
.Lfunc_end2:
_tile_overlayer_lowered:
.L_overlay_start_2:
0xb8: {  	(tag) =	ssettag $0x2  }
0xb9: {  	s0 =	rddreg [dreg:$0x0];
	s2 =	stileid.u32  }
0xba: {  	s1 =	rddreg [dreg:$0x1];
	p0 =	sne.s32 s2, $0x0  }
0xbb: {  	s3 =	rddreg [dreg:$0x2];
	[bflag:$0x3] =	sbarrier.arrive $0xFFFF;
	s2 =	simm.s32 @!p0 $0x1C02  }
0xbc: {  	[timem:s3], [sflag:s2] =	dma.local @!p0 [hbm:s0], s1  }
0xbd: {  	s0 =	simm.s32 @!p0 $0x2  }
0xbe: {  	_ =	swait.ge @!p0 [sflag:s0], s1  }
0xbf: {  	s1 =	ssub.s32 @!p0 $0x0, s1;
	[sflag:s0] =	ssyncset.done @!p0 $0x0  }
0xc0: {  	[sflag:s0] =	ssyncadd.s32 @!p0 s1  }
0xc1: {  	[bflag:$0x3] =	sbarrier.arrive $0xFFFF  }
0xc2: {  	_ =	shalt  }

</sc_bundles>
